<compile_context>
chip_gen: v7x
topology: tpu7x:2x2x1
jax: 0.10.2.dev20260603
libtpu: 0.0.44.dev20260713+nightly
codegen_flags: <defaults>
</compile_context>

<pallas_src>
import functools

import jax
import jax.numpy as jnp
from jax import lax
from jax.experimental import pallas as pl
from jax.experimental.pallas import tpu as pltpu
from jax.experimental.pallas import tpu_sc as plsc

B = 4096 * 200
D = 64
NC = 2
NS = 16
NW = NC * NS
BPW = B // NW
K = 128
NBUF = 4
NSET = BPW // (K * NBUF)

_mesh = plsc.VectorSubcoreMesh(core_axis_name="c", subcore_axis_name="s")


@functools.partial(
    pl.kernel,
    mesh=_mesh,
    out_type=jax.ShapeDtypeStruct((B, D), jnp.float32),
    scratch_types=[
        pltpu.VMEM((BPW,), jnp.int32),
        pltpu.VMEM((2, NBUF, K, D), jnp.float32),
        pltpu.SemaphoreType.DMA,
        pltpu.SemaphoreType.DMA,
    ],
    compiler_params=pltpu.CompilerParams(use_tc_tiling_on_sc=False),
)
def _emb_gather(idx_hbm, table_hbm, out_hbm, idx_v, rows_v, gsem, osem):
    wid = lax.axis_index("s") * NC + lax.axis_index("c")
    base = wid * BPW
    pltpu.sync_copy(idx_hbm.at[pl.ds(base, BPW)], idx_v)

    def fire_gathers(s, half):
        for b in range(NBUF):
            pltpu.make_async_copy(
                table_hbm.at[idx_v.at[pl.ds(s * (K * NBUF) + b * K, K)]],
                rows_v.at[half, b], gsem).start()

    def drain_gathers(half):
        for b in range(NBUF):
            pltpu.make_async_copy(
                table_hbm.at[idx_v.at[pl.ds(b * K, K)]],
                rows_v.at[half, b], gsem).wait()

    def fire_writes(s, half):
        for b in range(NBUF):
            pltpu.make_async_copy(
                rows_v.at[half, b],
                out_hbm.at[pl.ds(base + s * (K * NBUF) + b * K, K)],
                osem).start()

    def drain_writes(half):
        for b in range(NBUF):
            pltpu.make_async_copy(
                rows_v.at[half, b],
                out_hbm.at[pl.ds(base, K)], osem).wait()

    fire_gathers(0, 0)

    def step2(i, carry):
        g = i * 2
        for p in range(2):
            s = g + p
            cur, other = p, 1 - p

            @pl.when(s > 0)
            def _():
                drain_writes(other)

            @pl.when(s + 1 < NSET)
            def _():
                fire_gathers(s + 1, other)

            drain_gathers(cur)
            fire_writes(s, cur)
        return carry

    lax.fori_loop(0, NSET // 2, step2, None)
    drain_writes(1)


def kernel(idxs, weight):
    flat = idxs.reshape(-1).astype(jnp.int32)
    out = _emb_gather(flat, weight)
    return out.reshape(idxs.shape + (weight.shape[-1],))

# --- scband reference (transcript-rebuilt; emitter-appended) ---
"""Pipeline reference for scband-embedding-14671608283729 (READ-ONLY COPY).

The authoritative reference and input builder live on the scoring server;
editing this copy changes nothing except your own understanding.
"""

import jax, jax.numpy as jnp
import numpy as np

NUM_EMBEDDINGS = 1000000
D_MODEL = 64
BATCH = 4096
SEQ_LEN = 200

def setup_inputs(seed: int = 0) -> dict:
    key = jax.random.key(seed)
    k_idx, k_w = jax.random.split(key)
    idxs = jax.random.randint(k_idx, (BATCH, SEQ_LEN), 0, NUM_EMBEDDINGS, dtype=jnp.int64 if jax.config.jax_enable_x64 else jnp.int32)
    weight = jax.random.normal(k_w, (NUM_EMBEDDINGS, D_MODEL), dtype=jnp.float32)
    return {"idxs": idxs, "weight": weight}

def reference(idxs, weight):
    # weight[idxs] -> gather rows: [batch, seq_len, d_model]
    return jnp.take(weight, idxs, axis=0)

if __name__ == "__main__":
    import jax
    _d = setup_inputs()
    print(jax.jit(kernel)(*tuple(_d.values())))

</pallas_src>

<mosaic_0001>
#map = affine_map<(d0, d1) -> (0)>
#map1 = affine_map<(d0, d1) -> (0, 0)>
module attributes {stable_mosaic.version = 14 : i64} {
  func.func @_emb_gather(%arg0: i32, %arg1: i32, %arg2: memref<819200xi32, #tpu.memory_space<hbm>>, %arg3: memref<1000000x64xf32, #tpu.memory_space<hbm>>, %arg4: memref<819200x64xf32, #tpu.memory_space<hbm>>, %arg5: memref<25600xi32, #tpu.memory_space<vmem>>, %arg6: memref<2x4x128x64xf32, #tpu.memory_space<vmem>>, %arg7: memref<!tpu.dma_semaphore, #tpu.memory_space<semaphore_mem>>, %arg8: memref<!tpu.dma_semaphore, #tpu.memory_space<semaphore_mem>>) attributes {dimension_semantics = [#tpu.dimension_semantics<core_parallel>, #tpu.dimension_semantics<subcore_parallel>], iteration_bounds = array<i64: 2, 16>, scalar_prefetch = 0 : i64, scratch_operands = 4 : i64, tpu.core_type = #tpu.core_type<sc_vector_subcore>, window_params = [{transform_indices = #map}, {transform_indices = #map1}, {transform_indices = #map1}]} {
    %mul3A = arith.constant 2 : i32
    %mul3A_0 = arith.muli %arg1, %mul3A : i32
    %add3A = arith.addi %mul3A_0, %arg0 : i32
    %mul3A_1 = arith.constant 25600 : i32
    %mul3A_2 = arith.muli %add3A, %mul3A_1 : i32
    "tpu.region"() ({
      %run_scoped3A = tpu.sem_alloc : memref<!tpu.dma_semaphore, #tpu.memory_space<semaphore_mem>>
      %dma_start3A_105 = tpu.memref_slice %arg2[%mul3A_2] : memref<819200xi32, #tpu.memory_space<hbm>> -> memref<25600xi32, #tpu.memory_space<hbm>>
      %dma_start3A_106 = tpu.memref_slice %arg2[%mul3A_2] : memref<819200xi32, #tpu.memory_space<hbm>> -> memref<25600xi32, #tpu.memory_space<hbm>>
      tpu.enqueue_dma source(%dma_start3A_106 : memref<25600xi32, #tpu.memory_space<hbm>>) target(%arg5 : memref<25600xi32, #tpu.memory_space<vmem>>) target_semaphore(%run_scoped3A : memref<!tpu.dma_semaphore, #tpu.memory_space<semaphore_mem>>)
      %dma_wait3A_107 = tpu.memref_slice %arg2[%mul3A_2] : memref<819200xi32, #tpu.memory_space<hbm>> -> memref<25600xi32, #tpu.memory_space<hbm>>
      %dma_wait3A_108 = tpu.memref_slice %arg2[%mul3A_2] : memref<819200xi32, #tpu.memory_space<hbm>> -> memref<25600xi32, #tpu.memory_space<hbm>>
      tpu.wait_dma2 semaphore(%run_scoped3A : memref<!tpu.dma_semaphore, #tpu.memory_space<semaphore_mem>>) src(%dma_wait3A_108 : memref<25600xi32, #tpu.memory_space<hbm>>) dst(%arg5 : memref<25600xi32, #tpu.memory_space<vmem>>)
      tpu.yield
    }) : () -> ()
    %dma_start3A = arith.constant 0 : i32
    %dma_start3A_3 = arith.constant 0 : i32
    %dma_start3A_4 = arith.constant 0 : i32
    %dma_start3A_5 = arith.constant 0 : i32
    %dma_start3A_6 = tpu.memref_slice %arg6[%dma_start3A, %dma_start3A_3, %dma_start3A_4, %dma_start3A_5] : memref<2x4x128x64xf32, #tpu.memory_space<vmem>> -> memref<1x1x128x64xf32, #tpu.memory_space<vmem>>
    %dma_start3A_7 = tpu.memref_squeeze %dma_start3A_6 : memref<1x1x128x64xf32, #tpu.memory_space<vmem>> -> memref<128x64xf32, #tpu.memory_space<vmem>>
    %dma_start3A_8 = arith.constant 0 : i32
    %dma_start3A_9 = tpu.memref_slice %arg5[%dma_start3A_8] : memref<25600xi32, #tpu.memory_space<vmem>> -> memref<128xi32, #tpu.memory_space<vmem>>
    %dma_start3A_10 = arith.constant 0 : i32
    %dma_start3A_11 = arith.constant 0 : i32
    %dma_start3A_12 = tpu.memref_slice %arg3[%dma_start3A_10, %dma_start3A_11] : memref<1000000x64xf32, #tpu.memory_space<hbm>> -> memref<1000000x64xf32, #tpu.memory_space<hbm>>
    tpu.enqueue_indirect_dma source(%dma_start3A_12 : memref<1000000x64xf32, #tpu.memory_space<hbm>>) target(%dma_start3A_7 : memref<128x64xf32, #tpu.memory_space<vmem>>) offsets(%dma_start3A_9 : memref<128xi32, #tpu.memory_space<vmem>>) semaphore(%arg7 : memref<!tpu.dma_semaphore, #tpu.memory_space<semaphore_mem>>)
    %dma_start3A_13 = arith.constant 0 : i32
    %dma_start3A_14 = arith.constant 1 : i32
    %dma_start3A_15 = arith.constant 0 : i32
    %dma_start3A_16 = arith.constant 0 : i32
    %dma_start3A_17 = tpu.memref_slice %arg6[%dma_start3A_13, %dma_start3A_14, %dma_start3A_15, %dma_start3A_16] : memref<2x4x128x64xf32, #tpu.memory_space<vmem>> -> memref<1x1x128x64xf32, #tpu.memory_space<vmem>>
    %dma_start3A_18 = tpu.memref_squeeze %dma_start3A_17 : memref<1x1x128x64xf32, #tpu.memory_space<vmem>> -> memref<128x64xf32, #tpu.memory_space<vmem>>
    %dma_start3A_19 = arith.constant 128 : i32
    %dma_start3A_20 = tpu.memref_slice %arg5[%dma_start3A_19] : memref<25600xi32, #tpu.memory_space<vmem>> -> memref<128xi32, #tpu.memory_space<vmem>>
    %dma_start3A_21 = arith.constant 0 : i32
    %dma_start3A_22 = arith.constant 0 : i32
    %dma_start3A_23 = tpu.memref_slice %arg3[%dma_start3A_21, %dma_start3A_22] : memref<1000000x64xf32, #tpu.memory_space<hbm>> -> memref<1000000x64xf32, #tpu.memory_space<hbm>>
    tpu.enqueue_indirect_dma source(%dma_start3A_23 : memref<1000000x64xf32, #tpu.memory_space<hbm>>) target(%dma_start3A_18 : memref<128x64xf32, #tpu.memory_space<vmem>>) offsets(%dma_start3A_20 : memref<128xi32, #tpu.memory_space<vmem>>) semaphore(%arg7 : memref<!tpu.dma_semaphore, #tpu.memory_space<semaphore_mem>>)
    %dma_start3A_24 = arith.constant 0 : i32
    %dma_start3A_25 = arith.constant 2 : i32
    %dma_start3A_26 = arith.constant 0 : i32
    %dma_start3A_27 = arith.constant 0 : i32
    %dma_start3A_28 = tpu.memref_slice %arg6[%dma_start3A_24, %dma_start3A_25, %dma_start3A_26, %dma_start3A_27] : memref<2x4x128x64xf32, #tpu.memory_space<vmem>> -> memref<1x1x128x64xf32, #tpu.memory_space<vmem>>
    %dma_start3A_29 = tpu.memref_squeeze %dma_start3A_28 : memref<1x1x128x64xf32, #tpu.memory_space<vmem>> -> memref<128x64xf32, #tpu.memory_space<vmem>>
    %dma_start3A_30 = arith.constant 256 : i32
    %dma_start3A_31 = tpu.memref_slice %arg5[%dma_start3A_30] : memref<25600xi32, #tpu.memory_space<vmem>> -> memref<128xi32, #tpu.memory_space<vmem>>
    %dma_start3A_32 = arith.constant 0 : i32
    %dma_start3A_33 = arith.constant 0 : i32
    %dma_start3A_34 = tpu.memref_slice %arg3[%dma_start3A_32, %dma_start3A_33] : memref<1000000x64xf32, #tpu.memory_space<hbm>> -> memref<1000000x64xf32, #tpu.memory_space<hbm>>
    tpu.enqueue_indirect_dma source(%dma_start3A_34 : memref<1000000x64xf32, #tpu.memory_space<hbm>>) target(%dma_start3A_29 : memref<128x64xf32, #tpu.memory_space<vmem>>) offsets(%dma_start3A_31 : memref<128xi32, #tpu.memory_space<vmem>>) semaphore(%arg7 : memref<!tpu.dma_semaphore, #tpu.memory_space<semaphore_mem>>)
    %dma_start3A_35 = arith.constant 0 : i32
    %dma_start3A_36 = arith.constant 3 : i32
    %dma_start3A_37 = arith.constant 0 : i32
    %dma_start3A_38 = arith.constant 0 : i32
    %dma_start3A_39 = tpu.memref_slice %arg6[%dma_start3A_35, %dma_start3A_36, %dma_start3A_37, %dma_start3A_38] : memref<2x4x128x64xf32, #tpu.memory_space<vmem>> -> memref<1x1x128x64xf32, #tpu.memory_space<vmem>>
    %dma_start3A_40 = tpu.memref_squeeze %dma_start3A_39 : memref<1x1x128x64xf32, #tpu.memory_space<vmem>> -> memref<128x64xf32, #tpu.memory_space<vmem>>
    %dma_start3A_41 = arith.constant 384 : i32
    %dma_start3A_42 = tpu.memref_slice %arg5[%dma_start3A_41] : memref<25600xi32, #tpu.memory_space<vmem>> -> memref<128xi32, #tpu.memory_space<vmem>>
    %dma_start3A_43 = arith.constant 0 : i32
    %dma_start3A_44 = arith.constant 0 : i32
    %dma_start3A_45 = tpu.memref_slice %arg3[%dma_start3A_43, %dma_start3A_44] : memref<1000000x64xf32, #tpu.memory_space<hbm>> -> memref<1000000x64xf32, #tpu.memory_space<hbm>>
    tpu.enqueue_indirect_dma source(%dma_start3A_45 : memref<1000000x64xf32, #tpu.memory_space<hbm>>) target(%dma_start3A_40 : memref<128x64xf32, #tpu.memory_space<vmem>>) offsets(%dma_start3A_42 : memref<128xi32, #tpu.memory_space<vmem>>) semaphore(%arg7 : memref<!tpu.dma_semaphore, #tpu.memory_space<semaphore_mem>>)
    %scan3A = arith.constant 0 : i32
    %scan3A_46 = arith.constant 25 : i32
    %scan3A_47 = arith.addi %scan3A, %scan3A_46 : i32
    %scan3A_48 = arith.constant 1 : i32
    scf.for %scan3A_105 = %scan3A to %scan3A_47 step %scan3A_48  : i32 {
      %mul3A_106 = arith.constant 2 : i32
      %mul3A_107 = arith.muli %scan3A_105, %mul3A_106 : i32
      %add3A_108 = arith.constant 0 : i32
      %add3A_109 = arith.addi %mul3A_107, %add3A_108 : i32
      %gt3A = arith.constant 0 : i32
      %gt3A_110 = arith.cmpi sgt, %add3A_109, %gt3A : i32
      %convert_element_type3A = arith.extui %gt3A_110 : i1 to i32
      %cond3A = arith.constant 0 : i32
      %cond3A_111 = arith.cmpi ne, %convert_element_type3A, %cond3A : i32
      scf.if %cond3A_111 {
        %dma_wait3A_372 = arith.constant 1 : i32
        %dma_wait3A_373 = arith.constant 0 : i32
        %dma_wait3A_374 = arith.constant 0 : i32
        %dma_wait3A_375 = arith.constant 0 : i32
        %dma_wait3A_376 = tpu.memref_slice %arg6[%dma_wait3A_372, %dma_wait3A_373, %dma_wait3A_374, %dma_wait3A_375] : memref<2x4x128x64xf32, #tpu.memory_space<vmem>> -> memref<1x1x128x64xf32, #tpu.memory_space<vmem>>
        %dma_wait3A_377 = tpu.memref_squeeze %dma_wait3A_376 : memref<1x1x128x64xf32, #tpu.memory_space<vmem>> -> memref<128x64xf32, #tpu.memory_space<vmem>>
        %dma_wait3A_378 = arith.constant 0 : i32
        %dma_wait3A_379 = tpu.memref_slice %arg4[%mul3A_2, %dma_wait3A_378] : memref<819200x64xf32, #tpu.memory_space<hbm>> -> memref<128x64xf32, #tpu.memory_space<hbm>>
        %dma_wait3A_380 = arith.constant 0 : i32
        %dma_wait3A_381 = tpu.memref_slice %arg4[%mul3A_2, %dma_wait3A_380] : memref<819200x64xf32, #tpu.memory_space<hbm>> -> memref<128x64xf32, #tpu.memory_space<hbm>>
        %dma_wait3A_382 = arith.constant 0 : i32
        %dma_wait3A_383 = arith.constant 0 : i32
        %dma_wait3A_384 = tpu.memref_slice %arg6[%dma_wait3A_372, %dma_wait3A_373, %dma_wait3A_382, %dma_wait3A_383] : memref<2x4x128x64xf32, #tpu.memory_space<vmem>> -> memref<1x1x128x64xf32, #tpu.memory_space<vmem>>
        %dma_wait3A_385 = tpu.memref_squeeze %dma_wait3A_384 : memref<1x1x128x64xf32, #tpu.memory_space<vmem>> -> memref<128x64xf32, #tpu.memory_space<vmem>>
        tpu.wait_dma2 semaphore(%arg8 : memref<!tpu.dma_semaphore, #tpu.memory_space<semaphore_mem>>) src(%dma_wait3A_385 : memref<128x64xf32, #tpu.memory_space<vmem>>) dst(%dma_wait3A_381 : memref<128x64xf32, #tpu.memory_space<hbm>>)
        %dma_wait3A_386 = arith.constant 1 : i32
        %dma_wait3A_387 = arith.constant 1 : i32
        %dma_wait3A_388 = arith.constant 0 : i32
        %dma_wait3A_389 = arith.constant 0 : i32
        %dma_wait3A_390 = tpu.memref_slice %arg6[%dma_wait3A_386, %dma_wait3A_387, %dma_wait3A_388, %dma_wait3A_389] : memref<2x4x128x64xf32, #tpu.memory_space<vmem>> -> memref<1x1x128x64xf32, #tpu.memory_space<vmem>>
        %dma_wait3A_391 = tpu.memref_squeeze %dma_wait3A_390 : memref<1x1x128x64xf32, #tpu.memory_space<vmem>> -> memref<128x64xf32, #tpu.memory_space<vmem>>
        %dma_wait3A_392 = arith.constant 0 : i32
        %dma_wait3A_393 = tpu.memref_slice %arg4[%mul3A_2, %dma_wait3A_392] : memref<819200x64xf32, #tpu.memory_space<hbm>> -> memref<128x64xf32, #tpu.memory_space<hbm>>
        %dma_wait3A_394 = arith.constant 0 : i32
        %dma_wait3A_395 = tpu.memref_slice %arg4[%mul3A_2, %dma_wait3A_394] : memref<819200x64xf32, #tpu.memory_space<hbm>> -> memref<128x64xf32, #tpu.memory_space<hbm>>
        %dma_wait3A_396 = arith.constant 0 : i32
        %dma_wait3A_397 = arith.constant 0 : i32
        %dma_wait3A_398 = tpu.memref_slice %arg6[%dma_wait3A_386, %dma_wait3A_387, %dma_wait3A_396, %dma_wait3A_397] : memref<2x4x128x64xf32, #tpu.memory_space<vmem>> -> memref<1x1x128x64xf32, #tpu.memory_space<vmem>>
        %dma_wait3A_399 = tpu.memref_squeeze %dma_wait3A_398 : memref<1x1x128x64xf32, #tpu.memory_space<vmem>> -> memref<128x64xf32, #tpu.memory_space<vmem>>
        tpu.wait_dma2 semaphore(%arg8 : memref<!tpu.dma_semaphore, #tpu.memory_space<semaphore_mem>>) src(%dma_wait3A_399 : memref<128x64xf32, #tpu.memory_space<vmem>>) dst(%dma_wait3A_395 : memref<128x64xf32, #tpu.memory_space<hbm>>)
        %dma_wait3A_400 = arith.constant 1 : i32
        %dma_wait3A_401 = arith.constant 2 : i32
        %dma_wait3A_402 = arith.constant 0 : i32
        %dma_wait3A_403 = arith.constant 0 : i32
        %dma_wait3A_404 = tpu.memref_slice %arg6[%dma_wait3A_400, %dma_wait3A_401, %dma_wait3A_402, %dma_wait3A_403] : memref<2x4x128x64xf32, #tpu.memory_space<vmem>> -> memref<1x1x128x64xf32, #tpu.memory_space<vmem>>
        %dma_wait3A_405 = tpu.memref_squeeze %dma_wait3A_404 : memref<1x1x128x64xf32, #tpu.memory_space<vmem>> -> memref<128x64xf32, #tpu.memory_space<vmem>>
        %dma_wait3A_406 = arith.constant 0 : i32
        %dma_wait3A_407 = tpu.memref_slice %arg4[%mul3A_2, %dma_wait3A_406] : memref<819200x64xf32, #tpu.memory_space<hbm>> -> memref<128x64xf32, #tpu.memory_space<hbm>>
        %dma_wait3A_408 = arith.constant 0 : i32
        %dma_wait3A_409 = tpu.memref_slice %arg4[%mul3A_2, %dma_wait3A_408] : memref<819200x64xf32, #tpu.memory_space<hbm>> -> memref<128x64xf32, #tpu.memory_space<hbm>>
        %dma_wait3A_410 = arith.constant 0 : i32
        %dma_wait3A_411 = arith.constant 0 : i32
        %dma_wait3A_412 = tpu.memref_slice %arg6[%dma_wait3A_400, %dma_wait3A_401, %dma_wait3A_410, %dma_wait3A_411] : memref<2x4x128x64xf32, #tpu.memory_space<vmem>> -> memref<1x1x128x64xf32, #tpu.memory_space<vmem>>
        %dma_wait3A_413 = tpu.memref_squeeze %dma_wait3A_412 : memref<1x1x128x64xf32, #tpu.memory_space<vmem>> -> memref<128x64xf32, #tpu.memory_space<vmem>>
        tpu.wait_dma2 semaphore(%arg8 : memref<!tpu.dma_semaphore, #tpu.memory_space<semaphore_mem>>) src(%dma_wait3A_413 : memref<128x64xf32, #tpu.memory_space<vmem>>) dst(%dma_wait3A_409 : memref<128x64xf32, #tpu.memory_space<hbm>>)
        %dma_wait3A_414 = arith.constant 1 : i32
        %dma_wait3A_415 = arith.constant 3 : i32
        %dma_wait3A_416 = arith.constant 0 : i32
        %dma_wait3A_417 = arith.constant 0 : i32
        %dma_wait3A_418 = tpu.memref_slice %arg6[%dma_wait3A_414, %dma_wait3A_415, %dma_wait3A_416, %dma_wait3A_417] : memref<2x4x128x64xf32, #tpu.memory_space<vmem>> -> memref<1x1x128x64xf32, #tpu.memory_space<vmem>>
        %dma_wait3A_419 = tpu.memref_squeeze %dma_wait3A_418 : memref<1x1x128x64xf32, #tpu.memory_space<vmem>> -> memref<128x64xf32, #tpu.memory_space<vmem>>
        %dma_wait3A_420 = arith.constant 0 : i32
        %dma_wait3A_421 = tpu.memref_slice %arg4[%mul3A_2, %dma_wait3A_420] : memref<819200x64xf32, #tpu.memory_space<hbm>> -> memref<128x64xf32, #tpu.memory_space<hbm>>
        %dma_wait3A_422 = arith.constant 0 : i32
        %dma_wait3A_423 = tpu.memref_slice %arg4[%mul3A_2, %dma_wait3A_422] : memref<819200x64xf32, #tpu.memory_space<hbm>> -> memref<128x64xf32, #tpu.memory_space<hbm>>
        %dma_wait3A_424 = arith.constant 0 : i32
        %dma_wait3A_425 = arith.constant 0 : i32
        %dma_wait3A_426 = tpu.memref_slice %arg6[%dma_wait3A_414, %dma_wait3A_415, %dma_wait3A_424, %dma_wait3A_425] : memref<2x4x128x64xf32, #tpu.memory_space<vmem>> -> memref<1x1x128x64xf32, #tpu.memory_space<vmem>>
        %dma_wait3A_427 = tpu.memref_squeeze %dma_wait3A_426 : memref<1x1x128x64xf32, #tpu.memory_space<vmem>> -> memref<128x64xf32, #tpu.memory_space<vmem>>
        tpu.wait_dma2 semaphore(%arg8 : memref<!tpu.dma_semaphore, #tpu.memory_space<semaphore_mem>>) src(%dma_wait3A_427 : memref<128x64xf32, #tpu.memory_space<vmem>>) dst(%dma_wait3A_423 : memref<128x64xf32, #tpu.memory_space<hbm>>)
      } else {
      }
      %add3A_112 = arith.constant 1 : i32
      %add3A_113 = arith.addi %add3A_109, %add3A_112 : i32
      %lt3A = arith.constant 50 : i32
      %lt3A_114 = arith.cmpi slt, %add3A_113, %lt3A : i32
      %convert_element_type3A_115 = arith.extui %lt3A_114 : i1 to i32
      %cond3A_116 = arith.constant 0 : i32
      %cond3A_117 = arith.cmpi ne, %convert_element_type3A_115, %cond3A_116 : i32
      scf.if %cond3A_117 {
        %add3A_372 = arith.constant 1 : i32
        %add3A_373 = arith.addi %add3A_109, %add3A_372 : i32
        %mul3A_374 = arith.constant 512 : i32
        %mul3A_375 = arith.muli %add3A_373, %mul3A_374 : i32
        %add3A_376 = arith.constant 0 : i32
        %add3A_377 = arith.addi %mul3A_375, %add3A_376 : i32
        %dma_start3A_378 = arith.constant 1 : i32
        %dma_start3A_379 = arith.constant 0 : i32
        %dma_start3A_380 = arith.constant 0 : i32
        %dma_start3A_381 = arith.constant 0 : i32
        %dma_start3A_382 = tpu.memref_slice %arg6[%dma_start3A_378, %dma_start3A_379, %dma_start3A_380, %dma_start3A_381] : memref<2x4x128x64xf32, #tpu.memory_space<vmem>> -> memref<1x1x128x64xf32, #tpu.memory_space<vmem>>
        %dma_start3A_383 = tpu.memref_squeeze %dma_start3A_382 : memref<1x1x128x64xf32, #tpu.memory_space<vmem>> -> memref<128x64xf32, #tpu.memory_space<vmem>>
        %dma_start3A_384 = tpu.memref_slice %arg5[%add3A_377] : memref<25600xi32, #tpu.memory_space<vmem>> -> memref<128xi32, #tpu.memory_space<vmem>>
        %dma_start3A_385 = arith.constant 0 : i32
        %dma_start3A_386 = arith.constant 0 : i32
        %dma_start3A_387 = tpu.memref_slice %arg3[%dma_start3A_385, %dma_start3A_386] : memref<1000000x64xf32, #tpu.memory_space<hbm>> -> memref<1000000x64xf32, #tpu.memory_space<hbm>>
        tpu.enqueue_indirect_dma source(%dma_start3A_387 : memref<1000000x64xf32, #tpu.memory_space<hbm>>) target(%dma_start3A_383 : memref<128x64xf32, #tpu.memory_space<vmem>>) offsets(%dma_start3A_384 : memref<128xi32, #tpu.memory_space<vmem>>) semaphore(%arg7 : memref<!tpu.dma_semaphore, #tpu.memory_space<semaphore_mem>>)
        %mul3A_388 = arith.constant 512 : i32
        %mul3A_389 = arith.muli %add3A_373, %mul3A_388 : i32
        %add3A_390 = arith.constant 128 : i32
        %add3A_391 = arith.addi %mul3A_389, %add3A_390 : i32
        %dma_start3A_392 = arith.constant 1 : i32
        %dma_start3A_393 = arith.constant 1 : i32
        %dma_start3A_394 = arith.constant 0 : i32
        %dma_start3A_395 = arith.constant 0 : i32
        %dma_start3A_396 = tpu.memref_slice %arg6[%dma_start3A_392, %dma_start3A_393, %dma_start3A_394, %dma_start3A_395] : memref<2x4x128x64xf32, #tpu.memory_space<vmem>> -> memref<1x1x128x64xf32, #tpu.memory_space<vmem>>
        %dma_start3A_397 = tpu.memref_squeeze %dma_start3A_396 : memref<1x1x128x64xf32, #tpu.memory_space<vmem>> -> memref<128x64xf32, #tpu.memory_space<vmem>>
        %dma_start3A_398 = tpu.memref_slice %arg5[%add3A_391] : memref<25600xi32, #tpu.memory_space<vmem>> -> memref<128xi32, #tpu.memory_space<vmem>>
        %dma_start3A_399 = arith.constant 0 : i32
        %dma_start3A_400 = arith.constant 0 : i32
        %dma_start3A_401 = tpu.memref_slice %arg3[%dma_start3A_399, %dma_start3A_400] : memref<1000000x64xf32, #tpu.memory_space<hbm>> -> memref<1000000x64xf32, #tpu.memory_space<hbm>>
        tpu.enqueue_indirect_dma source(%dma_start3A_401 : memref<1000000x64xf32, #tpu.memory_space<hbm>>) target(%dma_start3A_397 : memref<128x64xf32, #tpu.memory_space<vmem>>) offsets(%dma_start3A_398 : memref<128xi32, #tpu.memory_space<vmem>>) semaphore(%arg7 : memref<!tpu.dma_semaphore, #tpu.memory_space<semaphore_mem>>)
        %mul3A_402 = arith.constant 512 : i32
        %mul3A_403 = arith.muli %add3A_373, %mul3A_402 : i32
        %add3A_404 = arith.constant 256 : i32
        %add3A_405 = arith.addi %mul3A_403, %add3A_404 : i32
        %dma_start3A_406 = arith.constant 1 : i32
        %dma_start3A_407 = arith.constant 2 : i32
        %dma_start3A_408 = arith.constant 0 : i32
        %dma_start3A_409 = arith.constant 0 : i32
        %dma_start3A_410 = tpu.memref_slice %arg6[%dma_start3A_406, %dma_start3A_407, %dma_start3A_408, %dma_start3A_409] : memref<2x4x128x64xf32, #tpu.memory_space<vmem>> -> memref<1x1x128x64xf32, #tpu.memory_space<vmem>>
        %dma_start3A_411 = tpu.memref_squeeze %dma_start3A_410 : memref<1x1x128x64xf32, #tpu.memory_space<vmem>> -> memref<128x64xf32, #tpu.memory_space<vmem>>
        %dma_start3A_412 = tpu.memref_slice %arg5[%add3A_405] : memref<25600xi32, #tpu.memory_space<vmem>> -> memref<128xi32, #tpu.memory_space<vmem>>
        %dma_start3A_413 = arith.constant 0 : i32
        %dma_start3A_414 = arith.constant 0 : i32
        %dma_start3A_415 = tpu.memref_slice %arg3[%dma_start3A_413, %dma_start3A_414] : memref<1000000x64xf32, #tpu.memory_space<hbm>> -> memref<1000000x64xf32, #tpu.memory_space<hbm>>
        tpu.enqueue_indirect_dma source(%dma_start3A_415 : memref<1000000x64xf32, #tpu.memory_space<hbm>>) target(%dma_start3A_411 : memref<128x64xf32, #tpu.memory_space<vmem>>) offsets(%dma_start3A_412 : memref<128xi32, #tpu.memory_space<vmem>>) semaphore(%arg7 : memref<!tpu.dma_semaphore, #tpu.memory_space<semaphore_mem>>)
        %mul3A_416 = arith.constant 512 : i32
        %mul3A_417 = arith.muli %add3A_373, %mul3A_416 : i32
        %add3A_418 = arith.constant 384 : i32
        %add3A_419 = arith.addi %mul3A_417, %add3A_418 : i32
        %dma_start3A_420 = arith.constant 1 : i32
        %dma_start3A_421 = arith.constant 3 : i32
        %dma_start3A_422 = arith.constant 0 : i32
        %dma_start3A_423 = arith.constant 0 : i32
        %dma_start3A_424 = tpu.memref_slice %arg6[%dma_start3A_420, %dma_start3A_421, %dma_start3A_422, %dma_start3A_423] : memref<2x4x128x64xf32, #tpu.memory_space<vmem>> -> memref<1x1x128x64xf32, #tpu.memory_space<vmem>>
        %dma_start3A_425 = tpu.memref_squeeze %dma_start3A_424 : memref<1x1x128x64xf32, #tpu.memory_space<vmem>> -> memref<128x64xf32, #tpu.memory_space<vmem>>
        %dma_start3A_426 = tpu.memref_slice %arg5[%add3A_419] : memref<25600xi32, #tpu.memory_space<vmem>> -> memref<128xi32, #tpu.memory_space<vmem>>
        %dma_start3A_427 = arith.constant 0 : i32
        %dma_start3A_428 = arith.constant 0 : i32
        %dma_start3A_429 = tpu.memref_slice %arg3[%dma_start3A_427, %dma_start3A_428] : memref<1000000x64xf32, #tpu.memory_space<hbm>> -> memref<1000000x64xf32, #tpu.memory_space<hbm>>
        tpu.enqueue_indirect_dma source(%dma_start3A_429 : memref<1000000x64xf32, #tpu.memory_space<hbm>>) target(%dma_start3A_425 : memref<128x64xf32, #tpu.memory_space<vmem>>) offsets(%dma_start3A_426 : memref<128xi32, #tpu.memory_space<vmem>>) semaphore(%arg7 : memref<!tpu.dma_semaphore, #tpu.memory_space<semaphore_mem>>)
      } else {
      }
      %dma_wait3A_118 = arith.constant 0 : i32
      %dma_wait3A_119 = arith.constant 0 : i32
      %dma_wait3A_120 = arith.constant 0 : i32
      %dma_wait3A_121 = arith.constant 0 : i32
      %dma_wait3A_122 = tpu.memref_slice %arg6[%dma_wait3A_118, %dma_wait3A_119, %dma_wait3A_120, %dma_wait3A_121] : memref<2x4x128x64xf32, #tpu.memory_space<vmem>> -> memref<1x1x128x64xf32, #tpu.memory_space<vmem>>
      %dma_wait3A_123 = tpu.memref_squeeze %dma_wait3A_122 : memref<1x1x128x64xf32, #tpu.memory_space<vmem>> -> memref<128x64xf32, #tpu.memory_space<vmem>>
      %dma_wait3A_124 = arith.constant 0 : i32
      %dma_wait3A_125 = tpu.memref_slice %arg5[%dma_wait3A_124] : memref<25600xi32, #tpu.memory_space<vmem>> -> memref<128xi32, #tpu.memory_space<vmem>>
      %dma_wait3A_126 = arith.constant 0 : i32
      %dma_wait3A_127 = arith.constant 0 : i32
      %dma_wait3A_128 = tpu.memref_slice %arg3[%dma_wait3A_126, %dma_wait3A_127] : memref<1000000x64xf32, #tpu.memory_space<hbm>> -> memref<1000000x64xf32, #tpu.memory_space<hbm>>
      tpu.wait_indirect_dma semaphore(%arg7 : memref<!tpu.dma_semaphore, #tpu.memory_space<semaphore_mem>>) src(%dma_wait3A_128 : memref<1000000x64xf32, #tpu.memory_space<hbm>>) dst(%dma_wait3A_123 : memref<128x64xf32, #tpu.memory_space<vmem>>)
      %dma_wait3A_129 = arith.constant 0 : i32
      %dma_wait3A_130 = arith.constant 1 : i32
      %dma_wait3A_131 = arith.constant 0 : i32
      %dma_wait3A_132 = arith.constant 0 : i32
      %dma_wait3A_133 = tpu.memref_slice %arg6[%dma_wait3A_129, %dma_wait3A_130, %dma_wait3A_131, %dma_wait3A_132] : memref<2x4x128x64xf32, #tpu.memory_space<vmem>> -> memref<1x1x128x64xf32, #tpu.memory_space<vmem>>
      %dma_wait3A_134 = tpu.memref_squeeze %dma_wait3A_133 : memref<1x1x128x64xf32, #tpu.memory_space<vmem>> -> memref<128x64xf32, #tpu.memory_space<vmem>>
      %dma_wait3A_135 = arith.constant 128 : i32
      %dma_wait3A_136 = tpu.memref_slice %arg5[%dma_wait3A_135] : memref<25600xi32, #tpu.memory_space<vmem>> -> memref<128xi32, #tpu.memory_space<vmem>>
      %dma_wait3A_137 = arith.constant 0 : i32
      %dma_wait3A_138 = arith.constant 0 : i32
      %dma_wait3A_139 = tpu.memref_slice %arg3[%dma_wait3A_137, %dma_wait3A_138] : memref<1000000x64xf32, #tpu.memory_space<hbm>> -> memref<1000000x64xf32, #tpu.memory_space<hbm>>
      tpu.wait_indirect_dma semaphore(%arg7 : memref<!tpu.dma_semaphore, #tpu.memory_space<semaphore_mem>>) src(%dma_wait3A_139 : memref<1000000x64xf32, #tpu.memory_space<hbm>>) dst(%dma_wait3A_134 : memref<128x64xf32, #tpu.memory_space<vmem>>)
      %dma_wait3A_140 = arith.constant 0 : i32
      %dma_wait3A_141 = arith.constant 2 : i32
      %dma_wait3A_142 = arith.constant 0 : i32
      %dma_wait3A_143 = arith.constant 0 : i32
      %dma_wait3A_144 = tpu.memref_slice %arg6[%dma_wait3A_140, %dma_wait3A_141, %dma_wait3A_142, %dma_wait3A_143] : memref<2x4x128x64xf32, #tpu.memory_space<vmem>> -> memref<1x1x128x64xf32, #tpu.memory_space<vmem>>
      %dma_wait3A_145 = tpu.memref_squeeze %dma_wait3A_144 : memref<1x1x128x64xf32, #tpu.memory_space<vmem>> -> memref<128x64xf32, #tpu.memory_space<vmem>>
      %dma_wait3A_146 = arith.constant 256 : i32
      %dma_wait3A_147 = tpu.memref_slice %arg5[%dma_wait3A_146] : memref<25600xi32, #tpu.memory_space<vmem>> -> memref<128xi32, #tpu.memory_space<vmem>>
      %dma_wait3A_148 = arith.constant 0 : i32
      %dma_wait3A_149 = arith.constant 0 : i32
      %dma_wait3A_150 = tpu.memref_slice %arg3[%dma_wait3A_148, %dma_wait3A_149] : memref<1000000x64xf32, #tpu.memory_space<hbm>> -> memref<1000000x64xf32, #tpu.memory_space<hbm>>
      tpu.wait_indirect_dma semaphore(%arg7 : memref<!tpu.dma_semaphore, #tpu.memory_space<semaphore_mem>>) src(%dma_wait3A_150 : memref<1000000x64xf32, #tpu.memory_space<hbm>>) dst(%dma_wait3A_145 : memref<128x64xf32, #tpu.memory_space<vmem>>)
      %dma_wait3A_151 = arith.constant 0 : i32
      %dma_wait3A_152 = arith.constant 3 : i32
      %dma_wait3A_153 = arith.constant 0 : i32
      %dma_wait3A_154 = arith.constant 0 : i32
      %dma_wait3A_155 = tpu.memref_slice %arg6[%dma_wait3A_151, %dma_wait3A_152, %dma_wait3A_153, %dma_wait3A_154] : memref<2x4x128x64xf32, #tpu.memory_space<vmem>> -> memref<1x1x128x64xf32, #tpu.memory_space<vmem>>
      %dma_wait3A_156 = tpu.memref_squeeze %dma_wait3A_155 : memref<1x1x128x64xf32, #tpu.memory_space<vmem>> -> memref<128x64xf32, #tpu.memory_space<vmem>>
      %dma_wait3A_157 = arith.constant 384 : i32
      %dma_wait3A_158 = tpu.memref_slice %arg5[%dma_wait3A_157] : memref<25600xi32, #tpu.memory_space<vmem>> -> memref<128xi32, #tpu.memory_space<vmem>>
      %dma_wait3A_159 = arith.constant 0 : i32
      %dma_wait3A_160 = arith.constant 0 : i32
      %dma_wait3A_161 = tpu.memref_slice %arg3[%dma_wait3A_159, %dma_wait3A_160] : memref<1000000x64xf32, #tpu.memory_space<hbm>> -> memref<1000000x64xf32, #tpu.memory_space<hbm>>
      tpu.wait_indirect_dma semaphore(%arg7 : memref<!tpu.dma_semaphore, #tpu.memory_space<semaphore_mem>>) src(%dma_wait3A_161 : memref<1000000x64xf32, #tpu.memory_space<hbm>>) dst(%dma_wait3A_156 : memref<128x64xf32, #tpu.memory_space<vmem>>)
      %mul3A_162 = arith.constant 512 : i32
      %mul3A_163 = arith.muli %add3A_109, %mul3A_162 : i32
      %add3A_164 = arith.addi %mul3A_2, %mul3A_163 : i32
      %add3A_165 = arith.constant 0 : i32
      %add3A_166 = arith.addi %add3A_164, %add3A_165 : i32
      %dma_start3A_167 = arith.constant 0 : i32
      %dma_start3A_168 = arith.constant 0 : i32
      %dma_start3A_169 = arith.constant 0 : i32
      %dma_start3A_170 = arith.constant 0 : i32
      %dma_start3A_171 = tpu.memref_slice %arg6[%dma_start3A_167, %dma_start3A_168, %dma_start3A_169, %dma_start3A_170] : memref<2x4x128x64xf32, #tpu.memory_space<vmem>> -> memref<1x1x128x64xf32, #tpu.memory_space<vmem>>
      %dma_start3A_172 = tpu.memref_squeeze %dma_start3A_171 : memref<1x1x128x64xf32, #tpu.memory_space<vmem>> -> memref<128x64xf32, #tpu.memory_space<vmem>>
      %dma_start3A_173 = arith.constant 0 : i32
      %dma_start3A_174 = tpu.memref_slice %arg4[%add3A_166, %dma_start3A_173] : memref<819200x64xf32, #tpu.memory_space<hbm>> -> memref<128x64xf32, #tpu.memory_space<hbm>>
      %dma_start3A_175 = arith.constant 0 : i32
      %dma_start3A_176 = tpu.memref_slice %arg4[%add3A_166, %dma_start3A_175] : memref<819200x64xf32, #tpu.memory_space<hbm>> -> memref<128x64xf32, #tpu.memory_space<hbm>>
      %dma_start3A_177 = arith.constant 0 : i32
      %dma_start3A_178 = arith.constant 0 : i32
      %dma_start3A_179 = tpu.memref_slice %arg6[%dma_start3A_167, %dma_start3A_168, %dma_start3A_177, %dma_start3A_178] : memref<2x4x128x64xf32, #tpu.memory_space<vmem>> -> memref<1x1x128x64xf32, #tpu.memory_space<vmem>>
      %dma_start3A_180 = tpu.memref_squeeze %dma_start3A_179 : memref<1x1x128x64xf32, #tpu.memory_space<vmem>> -> memref<128x64xf32, #tpu.memory_space<vmem>>
      tpu.enqueue_dma source(%dma_start3A_180 : memref<128x64xf32, #tpu.memory_space<vmem>>) target(%dma_start3A_176 : memref<128x64xf32, #tpu.memory_space<hbm>>) target_semaphore(%arg8 : memref<!tpu.dma_semaphore, #tpu.memory_space<semaphore_mem>>)
      %mul3A_181 = arith.constant 512 : i32
      %mul3A_182 = arith.muli %add3A_109, %mul3A_181 : i32
      %add3A_183 = arith.addi %mul3A_2, %mul3A_182 : i32
      %add3A_184 = arith.constant 128 : i32
      %add3A_185 = arith.addi %add3A_183, %add3A_184 : i32
      %dma_start3A_186 = arith.constant 0 : i32
      %dma_start3A_187 = arith.constant 1 : i32
      %dma_start3A_188 = arith.constant 0 : i32
      %dma_start3A_189 = arith.constant 0 : i32
      %dma_start3A_190 = tpu.memref_slice %arg6[%dma_start3A_186, %dma_start3A_187, %dma_start3A_188, %dma_start3A_189] : memref<2x4x128x64xf32, #tpu.memory_space<vmem>> -> memref<1x1x128x64xf32, #tpu.memory_space<vmem>>
      %dma_start3A_191 = tpu.memref_squeeze %dma_start3A_190 : memref<1x1x128x64xf32, #tpu.memory_space<vmem>> -> memref<128x64xf32, #tpu.memory_space<vmem>>
      %dma_start3A_192 = arith.constant 0 : i32
      %dma_start3A_193 = tpu.memref_slice %arg4[%add3A_185, %dma_start3A_192] : memref<819200x64xf32, #tpu.memory_space<hbm>> -> memref<128x64xf32, #tpu.memory_space<hbm>>
      %dma_start3A_194 = arith.constant 0 : i32
      %dma_start3A_195 = tpu.memref_slice %arg4[%add3A_185, %dma_start3A_194] : memref<819200x64xf32, #tpu.memory_space<hbm>> -> memref<128x64xf32, #tpu.memory_space<hbm>>
      %dma_start3A_196 = arith.constant 0 : i32
      %dma_start3A_197 = arith.constant 0 : i32
      %dma_start3A_198 = tpu.memref_slice %arg6[%dma_start3A_186, %dma_start3A_187, %dma_start3A_196, %dma_start3A_197] : memref<2x4x128x64xf32, #tpu.memory_space<vmem>> -> memref<1x1x128x64xf32, #tpu.memory_space<vmem>>
      %dma_start3A_199 = tpu.memref_squeeze %dma_start3A_198 : memref<1x1x128x64xf32, #tpu.memory_space<vmem>> -> memref<128x64xf32, #tpu.memory_space<vmem>>
      tpu.enqueue_dma source(%dma_start3A_199 : memref<128x64xf32, #tpu.memory_space<vmem>>) target(%dma_start3A_195 : memref<128x64xf32, #tpu.memory_space<hbm>>) target_semaphore(%arg8 : memref<!tpu.dma_semaphore, #tpu.memory_space<semaphore_mem>>)
      %mul3A_200 = arith.constant 512 : i32
      %mul3A_201 = arith.muli %add3A_109, %mul3A_200 : i32
      %add3A_202 = arith.addi %mul3A_2, %mul3A_201 : i32
      %add3A_203 = arith.constant 256 : i32
      %add3A_204 = arith.addi %add3A_202, %add3A_203 : i32
      %dma_start3A_205 = arith.constant 0 : i32
      %dma_start3A_206 = arith.constant 2 : i32
      %dma_start3A_207 = arith.constant 0 : i32
      %dma_start3A_208 = arith.constant 0 : i32
      %dma_start3A_209 = tpu.memref_slice %arg6[%dma_start3A_205, %dma_start3A_206, %dma_start3A_207, %dma_start3A_208] : memref<2x4x128x64xf32, #tpu.memory_space<vmem>> -> memref<1x1x128x64xf32, #tpu.memory_space<vmem>>
      %dma_start3A_210 = tpu.memref_squeeze %dma_start3A_209 : memref<1x1x128x64xf32, #tpu.memory_space<vmem>> -> memref<128x64xf32, #tpu.memory_space<vmem>>
      %dma_start3A_211 = arith.constant 0 : i32
      %dma_start3A_212 = tpu.memref_slice %arg4[%add3A_204, %dma_start3A_211] : memref<819200x64xf32, #tpu.memory_space<hbm>> -> memref<128x64xf32, #tpu.memory_space<hbm>>
      %dma_start3A_213 = arith.constant 0 : i32
      %dma_start3A_214 = tpu.memref_slice %arg4[%add3A_204, %dma_start3A_213] : memref<819200x64xf32, #tpu.memory_space<hbm>> -> memref<128x64xf32, #tpu.memory_space<hbm>>
      %dma_start3A_215 = arith.constant 0 : i32
      %dma_start3A_216 = arith.constant 0 : i32
      %dma_start3A_217 = tpu.memref_slice %arg6[%dma_start3A_205, %dma_start3A_206, %dma_start3A_215, %dma_start3A_216] : memref<2x4x128x64xf32, #tpu.memory_space<vmem>> -> memref<1x1x128x64xf32, #tpu.memory_space<vmem>>
      %dma_start3A_218 = tpu.memref_squeeze %dma_start3A_217 : memref<1x1x128x64xf32, #tpu.memory_space<vmem>> -> memref<128x64xf32, #tpu.memory_space<vmem>>
      tpu.enqueue_dma source(%dma_start3A_218 : memref<128x64xf32, #tpu.memory_space<vmem>>) target(%dma_start3A_214 : memref<128x64xf32, #tpu.memory_space<hbm>>) target_semaphore(%arg8 : memref<!tpu.dma_semaphore, #tpu.memory_space<semaphore_mem>>)
      %mul3A_219 = arith.constant 512 : i32
      %mul3A_220 = arith.muli %add3A_109, %mul3A_219 : i32
      %add3A_221 = arith.addi %mul3A_2, %mul3A_220 : i32
      %add3A_222 = arith.constant 384 : i32
      %add3A_223 = arith.addi %add3A_221, %add3A_222 : i32
      %dma_start3A_224 = arith.constant 0 : i32
      %dma_start3A_225 = arith.constant 3 : i32
      %dma_start3A_226 = arith.constant 0 : i32
      %dma_start3A_227 = arith.constant 0 : i32
      %dma_start3A_228 = tpu.memref_slice %arg6[%dma_start3A_224, %dma_start3A_225, %dma_start3A_226, %dma_start3A_227] : memref<2x4x128x64xf32, #tpu.memory_space<vmem>> -> memref<1x1x128x64xf32, #tpu.memory_space<vmem>>
      %dma_start3A_229 = tpu.memref_squeeze %dma_start3A_228 : memref<1x1x128x64xf32, #tpu.memory_space<vmem>> -> memref<128x64xf32, #tpu.memory_space<vmem>>
      %dma_start3A_230 = arith.constant 0 : i32
      %dma_start3A_231 = tpu.memref_slice %arg4[%add3A_223, %dma_start3A_230] : memref<819200x64xf32, #tpu.memory_space<hbm>> -> memref<128x64xf32, #tpu.memory_space<hbm>>
      %dma_start3A_232 = arith.constant 0 : i32
      %dma_start3A_233 = tpu.memref_slice %arg4[%add3A_223, %dma_start3A_232] : memref<819200x64xf32, #tpu.memory_space<hbm>> -> memref<128x64xf32, #tpu.memory_space<hbm>>
      %dma_start3A_234 = arith.constant 0 : i32
      %dma_start3A_235 = arith.constant 0 : i32
      %dma_start3A_236 = tpu.memref_slice %arg6[%dma_start3A_224, %dma_start3A_225, %dma_start3A_234, %dma_start3A_235] : memref<2x4x128x64xf32, #tpu.memory_space<vmem>> -> memref<1x1x128x64xf32, #tpu.memory_space<vmem>>
      %dma_start3A_237 = tpu.memref_squeeze %dma_start3A_236 : memref<1x1x128x64xf32, #tpu.memory_space<vmem>> -> memref<128x64xf32, #tpu.memory_space<vmem>>
      tpu.enqueue_dma source(%dma_start3A_237 : memref<128x64xf32, #tpu.memory_space<vmem>>) target(%dma_start3A_233 : memref<128x64xf32, #tpu.memory_space<hbm>>) target_semaphore(%arg8 : memref<!tpu.dma_semaphore, #tpu.memory_space<semaphore_mem>>)
      %add3A_238 = arith.constant 1 : i32
      %add3A_239 = arith.addi %mul3A_107, %add3A_238 : i32
      %gt3A_240 = arith.constant 0 : i32
      %gt3A_241 = arith.cmpi sgt, %add3A_239, %gt3A_240 : i32
      %convert_element_type3A_242 = arith.extui %gt3A_241 : i1 to i32
      %cond3A_243 = arith.constant 0 : i32
      %cond3A_244 = arith.cmpi ne, %convert_element_type3A_242, %cond3A_243 : i32
      scf.if %cond3A_244 {
        %dma_wait3A_372 = arith.constant 0 : i32
        %dma_wait3A_373 = arith.constant 0 : i32
        %dma_wait3A_374 = arith.constant 0 : i32
        %dma_wait3A_375 = arith.constant 0 : i32
        %dma_wait3A_376 = tpu.memref_slice %arg6[%dma_wait3A_372, %dma_wait3A_373, %dma_wait3A_374, %dma_wait3A_375] : memref<2x4x128x64xf32, #tpu.memory_space<vmem>> -> memref<1x1x128x64xf32, #tpu.memory_space<vmem>>
        %dma_wait3A_377 = tpu.memref_squeeze %dma_wait3A_376 : memref<1x1x128x64xf32, #tpu.memory_space<vmem>> -> memref<128x64xf32, #tpu.memory_space<vmem>>
        %dma_wait3A_378 = arith.constant 0 : i32
        %dma_wait3A_379 = tpu.memref_slice %arg4[%mul3A_2, %dma_wait3A_378] : memref<819200x64xf32, #tpu.memory_space<hbm>> -> memref<128x64xf32, #tpu.memory_space<hbm>>
        %dma_wait3A_380 = arith.constant 0 : i32
        %dma_wait3A_381 = tpu.memref_slice %arg4[%mul3A_2, %dma_wait3A_380] : memref<819200x64xf32, #tpu.memory_space<hbm>> -> memref<128x64xf32, #tpu.memory_space<hbm>>
        %dma_wait3A_382 = arith.constant 0 : i32
        %dma_wait3A_383 = arith.constant 0 : i32
        %dma_wait3A_384 = tpu.memref_slice %arg6[%dma_wait3A_372, %dma_wait3A_373, %dma_wait3A_382, %dma_wait3A_383] : memref<2x4x128x64xf32, #tpu.memory_space<vmem>> -> memref<1x1x128x64xf32, #tpu.memory_space<vmem>>
        %dma_wait3A_385 = tpu.memref_squeeze %dma_wait3A_384 : memref<1x1x128x64xf32, #tpu.memory_space<vmem>> -> memref<128x64xf32, #tpu.memory_space<vmem>>
        tpu.wait_dma2 semaphore(%arg8 : memref<!tpu.dma_semaphore, #tpu.memory_space<semaphore_mem>>) src(%dma_wait3A_385 : memref<128x64xf32, #tpu.memory_space<vmem>>) dst(%dma_wait3A_381 : memref<128x64xf32, #tpu.memory_space<hbm>>)
        %dma_wait3A_386 = arith.constant 0 : i32
        %dma_wait3A_387 = arith.constant 1 : i32
        %dma_wait3A_388 = arith.constant 0 : i32
        %dma_wait3A_389 = arith.constant 0 : i32
        %dma_wait3A_390 = tpu.memref_slice %arg6[%dma_wait3A_386, %dma_wait3A_387, %dma_wait3A_388, %dma_wait3A_389] : memref<2x4x128x64xf32, #tpu.memory_space<vmem>> -> memref<1x1x128x64xf32, #tpu.memory_space<vmem>>
        %dma_wait3A_391 = tpu.memref_squeeze %dma_wait3A_390 : memref<1x1x128x64xf32, #tpu.memory_space<vmem>> -> memref<128x64xf32, #tpu.memory_space<vmem>>
        %dma_wait3A_392 = arith.constant 0 : i32
        %dma_wait3A_393 = tpu.memref_slice %arg4[%mul3A_2, %dma_wait3A_392] : memref<819200x64xf32, #tpu.memory_space<hbm>> -> memref<128x64xf32, #tpu.memory_space<hbm>>
        %dma_wait3A_394 = arith.constant 0 : i32
        %dma_wait3A_395 = tpu.memref_slice %arg4[%mul3A_2, %dma_wait3A_394] : memref<819200x64xf32, #tpu.memory_space<hbm>> -> memref<128x64xf32, #tpu.memory_space<hbm>>
        %dma_wait3A_396 = arith.constant 0 : i32
        %dma_wait3A_397 = arith.constant 0 : i32
        %dma_wait3A_398 = tpu.memref_slice %arg6[%dma_wait3A_386, %dma_wait3A_387, %dma_wait3A_396, %dma_wait3A_397] : memref<2x4x128x64xf32, #tpu.memory_space<vmem>> -> memref<1x1x128x64xf32, #tpu.memory_space<vmem>>
        %dma_wait3A_399 = tpu.memref_squeeze %dma_wait3A_398 : memref<1x1x128x64xf32, #tpu.memory_space<vmem>> -> memref<128x64xf32, #tpu.memory_space<vmem>>
        tpu.wait_dma2 semaphore(%arg8 : memref<!tpu.dma_semaphore, #tpu.memory_space<semaphore_mem>>) src(%dma_wait3A_399 : memref<128x64xf32, #tpu.memory_space<vmem>>) dst(%dma_wait3A_395 : memref<128x64xf32, #tpu.memory_space<hbm>>)
        %dma_wait3A_400 = arith.constant 0 : i32
        %dma_wait3A_401 = arith.constant 2 : i32
        %dma_wait3A_402 = arith.constant 0 : i32
        %dma_wait3A_403 = arith.constant 0 : i32
        %dma_wait3A_404 = tpu.memref_slice %arg6[%dma_wait3A_400, %dma_wait3A_401, %dma_wait3A_402, %dma_wait3A_403] : memref<2x4x128x64xf32, #tpu.memory_space<vmem>> -> memref<1x1x128x64xf32, #tpu.memory_space<vmem>>
        %dma_wait3A_405 = tpu.memref_squeeze %dma_wait3A_404 : memref<1x1x128x64xf32, #tpu.memory_space<vmem>> -> memref<128x64xf32, #tpu.memory_space<vmem>>
        %dma_wait3A_406 = arith.constant 0 : i32
        %dma_wait3A_407 = tpu.memref_slice %arg4[%mul3A_2, %dma_wait3A_406] : memref<819200x64xf32, #tpu.memory_space<hbm>> -> memref<128x64xf32, #tpu.memory_space<hbm>>
        %dma_wait3A_408 = arith.constant 0 : i32
        %dma_wait3A_409 = tpu.memref_slice %arg4[%mul3A_2, %dma_wait3A_408] : memref<819200x64xf32, #tpu.memory_space<hbm>> -> memref<128x64xf32, #tpu.memory_space<hbm>>
        %dma_wait3A_410 = arith.constant 0 : i32
        %dma_wait3A_411 = arith.constant 0 : i32
        %dma_wait3A_412 = tpu.memref_slice %arg6[%dma_wait3A_400, %dma_wait3A_401, %dma_wait3A_410, %dma_wait3A_411] : memref<2x4x128x64xf32, #tpu.memory_space<vmem>> -> memref<1x1x128x64xf32, #tpu.memory_space<vmem>>
        %dma_wait3A_413 = tpu.memref_squeeze %dma_wait3A_412 : memref<1x1x128x64xf32, #tpu.memory_space<vmem>> -> memref<128x64xf32, #tpu.memory_space<vmem>>
        tpu.wait_dma2 semaphore(%arg8 : memref<!tpu.dma_semaphore, #tpu.memory_space<semaphore_mem>>) src(%dma_wait3A_413 : memref<128x64xf32, #tpu.memory_space<vmem>>) dst(%dma_wait3A_409 : memref<128x64xf32, #tpu.memory_space<hbm>>)
        %dma_wait3A_414 = arith.constant 0 : i32
        %dma_wait3A_415 = arith.constant 3 : i32
        %dma_wait3A_416 = arith.constant 0 : i32
        %dma_wait3A_417 = arith.constant 0 : i32
        %dma_wait3A_418 = tpu.memref_slice %arg6[%dma_wait3A_414, %dma_wait3A_415, %dma_wait3A_416, %dma_wait3A_417] : memref<2x4x128x64xf32, #tpu.memory_space<vmem>> -> memref<1x1x128x64xf32, #tpu.memory_space<vmem>>
        %dma_wait3A_419 = tpu.memref_squeeze %dma_wait3A_418 : memref<1x1x128x64xf32, #tpu.memory_space<vmem>> -> memref<128x64xf32, #tpu.memory_space<vmem>>
        %dma_wait3A_420 = arith.constant 0 : i32
        %dma_wait3A_421 = tpu.memref_slice %arg4[%mul3A_2, %dma_wait3A_420] : memref<819200x64xf32, #tpu.memory_space<hbm>> -> memref<128x64xf32, #tpu.memory_space<hbm>>
        %dma_wait3A_422 = arith.constant 0 : i32
        %dma_wait3A_423 = tpu.memref_slice %arg4[%mul3A_2, %dma_wait3A_422] : memref<819200x64xf32, #tpu.memory_space<hbm>> -> memref<128x64xf32, #tpu.memory_space<hbm>>
        %dma_wait3A_424 = arith.constant 0 : i32
        %dma_wait3A_425 = arith.constant 0 : i32
        %dma_wait3A_426 = tpu.memref_slice %arg6[%dma_wait3A_414, %dma_wait3A_415, %dma_wait3A_424, %dma_wait3A_425] : memref<2x4x128x64xf32, #tpu.memory_space<vmem>> -> memref<1x1x128x64xf32, #tpu.memory_space<vmem>>
        %dma_wait3A_427 = tpu.memref_squeeze %dma_wait3A_426 : memref<1x1x128x64xf32, #tpu.memory_space<vmem>> -> memref<128x64xf32, #tpu.memory_space<vmem>>
        tpu.wait_dma2 semaphore(%arg8 : memref<!tpu.dma_semaphore, #tpu.memory_space<semaphore_mem>>) src(%dma_wait3A_427 : memref<128x64xf32, #tpu.memory_space<vmem>>) dst(%dma_wait3A_423 : memref<128x64xf32, #tpu.memory_space<hbm>>)
      } else {
      }
      %add3A_245 = arith.constant 1 : i32
      %add3A_246 = arith.addi %add3A_239, %add3A_245 : i32
      %lt3A_247 = arith.constant 50 : i32
      %lt3A_248 = arith.cmpi slt, %add3A_246, %lt3A_247 : i32
      %convert_element_type3A_249 = arith.extui %lt3A_248 : i1 to i32
      %cond3A_250 = arith.constant 0 : i32
      %cond3A_251 = arith.cmpi ne, %convert_element_type3A_249, %cond3A_250 : i32
      scf.if %cond3A_251 {
        %add3A_372 = arith.constant 1 : i32
        %add3A_373 = arith.addi %add3A_239, %add3A_372 : i32
        %mul3A_374 = arith.constant 512 : i32
        %mul3A_375 = arith.muli %add3A_373, %mul3A_374 : i32
        %add3A_376 = arith.constant 0 : i32
        %add3A_377 = arith.addi %mul3A_375, %add3A_376 : i32
        %dma_start3A_378 = arith.constant 0 : i32
        %dma_start3A_379 = arith.constant 0 : i32
        %dma_start3A_380 = arith.constant 0 : i32
        %dma_start3A_381 = arith.constant 0 : i32
        %dma_start3A_382 = tpu.memref_slice %arg6[%dma_start3A_378, %dma_start3A_379, %dma_start3A_380, %dma_start3A_381] : memref<2x4x128x64xf32, #tpu.memory_space<vmem>> -> memref<1x1x128x64xf32, #tpu.memory_space<vmem>>
        %dma_start3A_383 = tpu.memref_squeeze %dma_start3A_382 : memref<1x1x128x64xf32, #tpu.memory_space<vmem>> -> memref<128x64xf32, #tpu.memory_space<vmem>>
        %dma_start3A_384 = tpu.memref_slice %arg5[%add3A_377] : memref<25600xi32, #tpu.memory_space<vmem>> -> memref<128xi32, #tpu.memory_space<vmem>>
        %dma_start3A_385 = arith.constant 0 : i32
        %dma_start3A_386 = arith.constant 0 : i32
        %dma_start3A_387 = tpu.memref_slice %arg3[%dma_start3A_385, %dma_start3A_386] : memref<1000000x64xf32, #tpu.memory_space<hbm>> -> memref<1000000x64xf32, #tpu.memory_space<hbm>>
        tpu.enqueue_indirect_dma source(%dma_start3A_387 : memref<1000000x64xf32, #tpu.memory_space<hbm>>) target(%dma_start3A_383 : memref<128x64xf32, #tpu.memory_space<vmem>>) offsets(%dma_start3A_384 : memref<128xi32, #tpu.memory_space<vmem>>) semaphore(%arg7 : memref<!tpu.dma_semaphore, #tpu.memory_space<semaphore_mem>>)
        %mul3A_388 = arith.constant 512 : i32
        %mul3A_389 = arith.muli %add3A_373, %mul3A_388 : i32
        %add3A_390 = arith.constant 128 : i32
        %add3A_391 = arith.addi %mul3A_389, %add3A_390 : i32
        %dma_start3A_392 = arith.constant 0 : i32
        %dma_start3A_393 = arith.constant 1 : i32
        %dma_start3A_394 = arith.constant 0 : i32
        %dma_start3A_395 = arith.constant 0 : i32
        %dma_start3A_396 = tpu.memref_slice %arg6[%dma_start3A_392, %dma_start3A_393, %dma_start3A_394, %dma_start3A_395] : memref<2x4x128x64xf32, #tpu.memory_space<vmem>> -> memref<1x1x128x64xf32, #tpu.memory_space<vmem>>
        %dma_start3A_397 = tpu.memref_squeeze %dma_start3A_396 : memref<1x1x128x64xf32, #tpu.memory_space<vmem>> -> memref<128x64xf32, #tpu.memory_space<vmem>>
        %dma_start3A_398 = tpu.memref_slice %arg5[%add3A_391] : memref<25600xi32, #tpu.memory_space<vmem>> -> memref<128xi32, #tpu.memory_space<vmem>>
        %dma_start3A_399 = arith.constant 0 : i32
        %dma_start3A_400 = arith.constant 0 : i32
        %dma_start3A_401 = tpu.memref_slice %arg3[%dma_start3A_399, %dma_start3A_400] : memref<1000000x64xf32, #tpu.memory_space<hbm>> -> memref<1000000x64xf32, #tpu.memory_space<hbm>>
        tpu.enqueue_indirect_dma source(%dma_start3A_401 : memref<1000000x64xf32, #tpu.memory_space<hbm>>) target(%dma_start3A_397 : memref<128x64xf32, #tpu.memory_space<vmem>>) offsets(%dma_start3A_398 : memref<128xi32, #tpu.memory_space<vmem>>) semaphore(%arg7 : memref<!tpu.dma_semaphore, #tpu.memory_space<semaphore_mem>>)
        %mul3A_402 = arith.constant 512 : i32
        %mul3A_403 = arith.muli %add3A_373, %mul3A_402 : i32
        %add3A_404 = arith.constant 256 : i32
        %add3A_405 = arith.addi %mul3A_403, %add3A_404 : i32
        %dma_start3A_406 = arith.constant 0 : i32
        %dma_start3A_407 = arith.constant 2 : i32
        %dma_start3A_408 = arith.constant 0 : i32
        %dma_start3A_409 = arith.constant 0 : i32
        %dma_start3A_410 = tpu.memref_slice %arg6[%dma_start3A_406, %dma_start3A_407, %dma_start3A_408, %dma_start3A_409] : memref<2x4x128x64xf32, #tpu.memory_space<vmem>> -> memref<1x1x128x64xf32, #tpu.memory_space<vmem>>
        %dma_start3A_411 = tpu.memref_squeeze %dma_start3A_410 : memref<1x1x128x64xf32, #tpu.memory_space<vmem>> -> memref<128x64xf32, #tpu.memory_space<vmem>>
        %dma_start3A_412 = tpu.memref_slice %arg5[%add3A_405] : memref<25600xi32, #tpu.memory_space<vmem>> -> memref<128xi32, #tpu.memory_space<vmem>>
        %dma_start3A_413 = arith.constant 0 : i32
        %dma_start3A_414 = arith.constant 0 : i32
        %dma_start3A_415 = tpu.memref_slice %arg3[%dma_start3A_413, %dma_start3A_414] : memref<1000000x64xf32, #tpu.memory_space<hbm>> -> memref<1000000x64xf32, #tpu.memory_space<hbm>>
        tpu.enqueue_indirect_dma source(%dma_start3A_415 : memref<1000000x64xf32, #tpu.memory_space<hbm>>) target(%dma_start3A_411 : memref<128x64xf32, #tpu.memory_space<vmem>>) offsets(%dma_start3A_412 : memref<128xi32, #tpu.memory_space<vmem>>) semaphore(%arg7 : memref<!tpu.dma_semaphore, #tpu.memory_space<semaphore_mem>>)
        %mul3A_416 = arith.constant 512 : i32
        %mul3A_417 = arith.muli %add3A_373, %mul3A_416 : i32
        %add3A_418 = arith.constant 384 : i32
        %add3A_419 = arith.addi %mul3A_417, %add3A_418 : i32
        %dma_start3A_420 = arith.constant 0 : i32
        %dma_start3A_421 = arith.constant 3 : i32
        %dma_start3A_422 = arith.constant 0 : i32
        %dma_start3A_423 = arith.constant 0 : i32
        %dma_start3A_424 = tpu.memref_slice %arg6[%dma_start3A_420, %dma_start3A_421, %dma_start3A_422, %dma_start3A_423] : memref<2x4x128x64xf32, #tpu.memory_space<vmem>> -> memref<1x1x128x64xf32, #tpu.memory_space<vmem>>
        %dma_start3A_425 = tpu.memref_squeeze %dma_start3A_424 : memref<1x1x128x64xf32, #tpu.memory_space<vmem>> -> memref<128x64xf32, #tpu.memory_space<vmem>>
        %dma_start3A_426 = tpu.memref_slice %arg5[%add3A_419] : memref<25600xi32, #tpu.memory_space<vmem>> -> memref<128xi32, #tpu.memory_space<vmem>>
        %dma_start3A_427 = arith.constant 0 : i32
        %dma_start3A_428 = arith.constant 0 : i32
        %dma_start3A_429 = tpu.memref_slice %arg3[%dma_start3A_427, %dma_start3A_428] : memref<1000000x64xf32, #tpu.memory_space<hbm>> -> memref<1000000x64xf32, #tpu.memory_space<hbm>>
        tpu.enqueue_indirect_dma source(%dma_start3A_429 : memref<1000000x64xf32, #tpu.memory_space<hbm>>) target(%dma_start3A_425 : memref<128x64xf32, #tpu.memory_space<vmem>>) offsets(%dma_start3A_426 : memref<128xi32, #tpu.memory_space<vmem>>) semaphore(%arg7 : memref<!tpu.dma_semaphore, #tpu.memory_space<semaphore_mem>>)
      } else {
      }
      %dma_wait3A_252 = arith.constant 1 : i32
      %dma_wait3A_253 = arith.constant 0 : i32
      %dma_wait3A_254 = arith.constant 0 : i32
      %dma_wait3A_255 = arith.constant 0 : i32
      %dma_wait3A_256 = tpu.memref_slice %arg6[%dma_wait3A_252, %dma_wait3A_253, %dma_wait3A_254, %dma_wait3A_255] : memref<2x4x128x64xf32, #tpu.memory_space<vmem>> -> memref<1x1x128x64xf32, #tpu.memory_space<vmem>>
      %dma_wait3A_257 = tpu.memref_squeeze %dma_wait3A_256 : memref<1x1x128x64xf32, #tpu.memory_space<vmem>> -> memref<128x64xf32, #tpu.memory_space<vmem>>
      %dma_wait3A_258 = arith.constant 0 : i32
      %dma_wait3A_259 = tpu.memref_slice %arg5[%dma_wait3A_258] : memref<25600xi32, #tpu.memory_space<vmem>> -> memref<128xi32, #tpu.memory_space<vmem>>
      %dma_wait3A_260 = arith.constant 0 : i32
      %dma_wait3A_261 = arith.constant 0 : i32
      %dma_wait3A_262 = tpu.memref_slice %arg3[%dma_wait3A_260, %dma_wait3A_261] : memref<1000000x64xf32, #tpu.memory_space<hbm>> -> memref<1000000x64xf32, #tpu.memory_space<hbm>>
      tpu.wait_indirect_dma semaphore(%arg7 : memref<!tpu.dma_semaphore, #tpu.memory_space<semaphore_mem>>) src(%dma_wait3A_262 : memref<1000000x64xf32, #tpu.memory_space<hbm>>) dst(%dma_wait3A_257 : memref<128x64xf32, #tpu.memory_space<vmem>>)
      %dma_wait3A_263 = arith.constant 1 : i32
      %dma_wait3A_264 = arith.constant 1 : i32
      %dma_wait3A_265 = arith.constant 0 : i32
      %dma_wait3A_266 = arith.constant 0 : i32
      %dma_wait3A_267 = tpu.memref_slice %arg6[%dma_wait3A_263, %dma_wait3A_264, %dma_wait3A_265, %dma_wait3A_266] : memref<2x4x128x64xf32, #tpu.memory_space<vmem>> -> memref<1x1x128x64xf32, #tpu.memory_space<vmem>>
      %dma_wait3A_268 = tpu.memref_squeeze %dma_wait3A_267 : memref<1x1x128x64xf32, #tpu.memory_space<vmem>> -> memref<128x64xf32, #tpu.memory_space<vmem>>
      %dma_wait3A_269 = arith.constant 128 : i32
      %dma_wait3A_270 = tpu.memref_slice %arg5[%dma_wait3A_269] : memref<25600xi32, #tpu.memory_space<vmem>> -> memref<128xi32, #tpu.memory_space<vmem>>
      %dma_wait3A_271 = arith.constant 0 : i32
      %dma_wait3A_272 = arith.constant 0 : i32
      %dma_wait3A_273 = tpu.memref_slice %arg3[%dma_wait3A_271, %dma_wait3A_272] : memref<1000000x64xf32, #tpu.memory_space<hbm>> -> memref<1000000x64xf32, #tpu.memory_space<hbm>>
      tpu.wait_indirect_dma semaphore(%arg7 : memref<!tpu.dma_semaphore, #tpu.memory_space<semaphore_mem>>) src(%dma_wait3A_273 : memref<1000000x64xf32, #tpu.memory_space<hbm>>) dst(%dma_wait3A_268 : memref<128x64xf32, #tpu.memory_space<vmem>>)
      %dma_wait3A_274 = arith.constant 1 : i32
      %dma_wait3A_275 = arith.constant 2 : i32
      %dma_wait3A_276 = arith.constant 0 : i32
      %dma_wait3A_277 = arith.constant 0 : i32
      %dma_wait3A_278 = tpu.memref_slice %arg6[%dma_wait3A_274, %dma_wait3A_275, %dma_wait3A_276, %dma_wait3A_277] : memref<2x4x128x64xf32, #tpu.memory_space<vmem>> -> memref<1x1x128x64xf32, #tpu.memory_space<vmem>>
      %dma_wait3A_279 = tpu.memref_squeeze %dma_wait3A_278 : memref<1x1x128x64xf32, #tpu.memory_space<vmem>> -> memref<128x64xf32, #tpu.memory_space<vmem>>
      %dma_wait3A_280 = arith.constant 256 : i32
      %dma_wait3A_281 = tpu.memref_slice %arg5[%dma_wait3A_280] : memref<25600xi32, #tpu.memory_space<vmem>> -> memref<128xi32, #tpu.memory_space<vmem>>
      %dma_wait3A_282 = arith.constant 0 : i32
      %dma_wait3A_283 = arith.constant 0 : i32
      %dma_wait3A_284 = tpu.memref_slice %arg3[%dma_wait3A_282, %dma_wait3A_283] : memref<1000000x64xf32, #tpu.memory_space<hbm>> -> memref<1000000x64xf32, #tpu.memory_space<hbm>>
      tpu.wait_indirect_dma semaphore(%arg7 : memref<!tpu.dma_semaphore, #tpu.memory_space<semaphore_mem>>) src(%dma_wait3A_284 : memref<1000000x64xf32, #tpu.memory_space<hbm>>) dst(%dma_wait3A_279 : memref<128x64xf32, #tpu.memory_space<vmem>>)
      %dma_wait3A_285 = arith.constant 1 : i32
      %dma_wait3A_286 = arith.constant 3 : i32
      %dma_wait3A_287 = arith.constant 0 : i32
      %dma_wait3A_288 = arith.constant 0 : i32
      %dma_wait3A_289 = tpu.memref_slice %arg6[%dma_wait3A_285, %dma_wait3A_286, %dma_wait3A_287, %dma_wait3A_288] : memref<2x4x128x64xf32, #tpu.memory_space<vmem>> -> memref<1x1x128x64xf32, #tpu.memory_space<vmem>>
      %dma_wait3A_290 = tpu.memref_squeeze %dma_wait3A_289 : memref<1x1x128x64xf32, #tpu.memory_space<vmem>> -> memref<128x64xf32, #tpu.memory_space<vmem>>
      %dma_wait3A_291 = arith.constant 384 : i32
      %dma_wait3A_292 = tpu.memref_slice %arg5[%dma_wait3A_291] : memref<25600xi32, #tpu.memory_space<vmem>> -> memref<128xi32, #tpu.memory_space<vmem>>
      %dma_wait3A_293 = arith.constant 0 : i32
      %dma_wait3A_294 = arith.constant 0 : i32
      %dma_wait3A_295 = tpu.memref_slice %arg3[%dma_wait3A_293, %dma_wait3A_294] : memref<1000000x64xf32, #tpu.memory_space<hbm>> -> memref<1000000x64xf32, #tpu.memory_space<hbm>>
      tpu.wait_indirect_dma semaphore(%arg7 : memref<!tpu.dma_semaphore, #tpu.memory_space<semaphore_mem>>) src(%dma_wait3A_295 : memref<1000000x64xf32, #tpu.memory_space<hbm>>) dst(%dma_wait3A_290 : memref<128x64xf32, #tpu.memory_space<vmem>>)
      %mul3A_296 = arith.constant 512 : i32
      %mul3A_297 = arith.muli %add3A_239, %mul3A_296 : i32
      %add3A_298 = arith.addi %mul3A_2, %mul3A_297 : i32
      %add3A_299 = arith.constant 0 : i32
      %add3A_300 = arith.addi %add3A_298, %add3A_299 : i32
      %dma_start3A_301 = arith.constant 1 : i32
      %dma_start3A_302 = arith.constant 0 : i32
      %dma_start3A_303 = arith.constant 0 : i32
      %dma_start3A_304 = arith.constant 0 : i32
      %dma_start3A_305 = tpu.memref_slice %arg6[%dma_start3A_301, %dma_start3A_302, %dma_start3A_303, %dma_start3A_304] : memref<2x4x128x64xf32, #tpu.memory_space<vmem>> -> memref<1x1x128x64xf32, #tpu.memory_space<vmem>>
      %dma_start3A_306 = tpu.memref_squeeze %dma_start3A_305 : memref<1x1x128x64xf32, #tpu.memory_space<vmem>> -> memref<128x64xf32, #tpu.memory_space<vmem>>
      %dma_start3A_307 = arith.constant 0 : i32
      %dma_start3A_308 = tpu.memref_slice %arg4[%add3A_300, %dma_start3A_307] : memref<819200x64xf32, #tpu.memory_space<hbm>> -> memref<128x64xf32, #tpu.memory_space<hbm>>
      %dma_start3A_309 = arith.constant 0 : i32
      %dma_start3A_310 = tpu.memref_slice %arg4[%add3A_300, %dma_start3A_309] : memref<819200x64xf32, #tpu.memory_space<hbm>> -> memref<128x64xf32, #tpu.memory_space<hbm>>
      %dma_start3A_311 = arith.constant 0 : i32
      %dma_start3A_312 = arith.constant 0 : i32
      %dma_start3A_313 = tpu.memref_slice %arg6[%dma_start3A_301, %dma_start3A_302, %dma_start3A_311, %dma_start3A_312] : memref<2x4x128x64xf32, #tpu.memory_space<vmem>> -> memref<1x1x128x64xf32, #tpu.memory_space<vmem>>
      %dma_start3A_314 = tpu.memref_squeeze %dma_start3A_313 : memref<1x1x128x64xf32, #tpu.memory_space<vmem>> -> memref<128x64xf32, #tpu.memory_space<vmem>>
      tpu.enqueue_dma source(%dma_start3A_314 : memref<128x64xf32, #tpu.memory_space<vmem>>) target(%dma_start3A_310 : memref<128x64xf32, #tpu.memory_space<hbm>>) target_semaphore(%arg8 : memref<!tpu.dma_semaphore, #tpu.memory_space<semaphore_mem>>)
      %mul3A_315 = arith.constant 512 : i32
      %mul3A_316 = arith.muli %add3A_239, %mul3A_315 : i32
      %add3A_317 = arith.addi %mul3A_2, %mul3A_316 : i32
      %add3A_318 = arith.constant 128 : i32
      %add3A_319 = arith.addi %add3A_317, %add3A_318 : i32
      %dma_start3A_320 = arith.constant 1 : i32
      %dma_start3A_321 = arith.constant 1 : i32
      %dma_start3A_322 = arith.constant 0 : i32
      %dma_start3A_323 = arith.constant 0 : i32
      %dma_start3A_324 = tpu.memref_slice %arg6[%dma_start3A_320, %dma_start3A_321, %dma_start3A_322, %dma_start3A_323] : memref<2x4x128x64xf32, #tpu.memory_space<vmem>> -> memref<1x1x128x64xf32, #tpu.memory_space<vmem>>
      %dma_start3A_325 = tpu.memref_squeeze %dma_start3A_324 : memref<1x1x128x64xf32, #tpu.memory_space<vmem>> -> memref<128x64xf32, #tpu.memory_space<vmem>>
      %dma_start3A_326 = arith.constant 0 : i32
      %dma_start3A_327 = tpu.memref_slice %arg4[%add3A_319, %dma_start3A_326] : memref<819200x64xf32, #tpu.memory_space<hbm>> -> memref<128x64xf32, #tpu.memory_space<hbm>>
      %dma_start3A_328 = arith.constant 0 : i32
      %dma_start3A_329 = tpu.memref_slice %arg4[%add3A_319, %dma_start3A_328] : memref<819200x64xf32, #tpu.memory_space<hbm>> -> memref<128x64xf32, #tpu.memory_space<hbm>>
      %dma_start3A_330 = arith.constant 0 : i32
      %dma_start3A_331 = arith.constant 0 : i32
      %dma_start3A_332 = tpu.memref_slice %arg6[%dma_start3A_320, %dma_start3A_321, %dma_start3A_330, %dma_start3A_331] : memref<2x4x128x64xf32, #tpu.memory_space<vmem>> -> memref<1x1x128x64xf32, #tpu.memory_space<vmem>>
      %dma_start3A_333 = tpu.memref_squeeze %dma_start3A_332 : memref<1x1x128x64xf32, #tpu.memory_space<vmem>> -> memref<128x64xf32, #tpu.memory_space<vmem>>
      tpu.enqueue_dma source(%dma_start3A_333 : memref<128x64xf32, #tpu.memory_space<vmem>>) target(%dma_start3A_329 : memref<128x64xf32, #tpu.memory_space<hbm>>) target_semaphore(%arg8 : memref<!tpu.dma_semaphore, #tpu.memory_space<semaphore_mem>>)
      %mul3A_334 = arith.constant 512 : i32
      %mul3A_335 = arith.muli %add3A_239, %mul3A_334 : i32
      %add3A_336 = arith.addi %mul3A_2, %mul3A_335 : i32
      %add3A_337 = arith.constant 256 : i32
      %add3A_338 = arith.addi %add3A_336, %add3A_337 : i32
      %dma_start3A_339 = arith.constant 1 : i32
      %dma_start3A_340 = arith.constant 2 : i32
      %dma_start3A_341 = arith.constant 0 : i32
      %dma_start3A_342 = arith.constant 0 : i32
      %dma_start3A_343 = tpu.memref_slice %arg6[%dma_start3A_339, %dma_start3A_340, %dma_start3A_341, %dma_start3A_342] : memref<2x4x128x64xf32, #tpu.memory_space<vmem>> -> memref<1x1x128x64xf32, #tpu.memory_space<vmem>>
      %dma_start3A_344 = tpu.memref_squeeze %dma_start3A_343 : memref<1x1x128x64xf32, #tpu.memory_space<vmem>> -> memref<128x64xf32, #tpu.memory_space<vmem>>
      %dma_start3A_345 = arith.constant 0 : i32
      %dma_start3A_346 = tpu.memref_slice %arg4[%add3A_338, %dma_start3A_345] : memref<819200x64xf32, #tpu.memory_space<hbm>> -> memref<128x64xf32, #tpu.memory_space<hbm>>
      %dma_start3A_347 = arith.constant 0 : i32
      %dma_start3A_348 = tpu.memref_slice %arg4[%add3A_338, %dma_start3A_347] : memref<819200x64xf32, #tpu.memory_space<hbm>> -> memref<128x64xf32, #tpu.memory_space<hbm>>
      %dma_start3A_349 = arith.constant 0 : i32
      %dma_start3A_350 = arith.constant 0 : i32
      %dma_start3A_351 = tpu.memref_slice %arg6[%dma_start3A_339, %dma_start3A_340, %dma_start3A_349, %dma_start3A_350] : memref<2x4x128x64xf32, #tpu.memory_space<vmem>> -> memref<1x1x128x64xf32, #tpu.memory_space<vmem>>
      %dma_start3A_352 = tpu.memref_squeeze %dma_start3A_351 : memref<1x1x128x64xf32, #tpu.memory_space<vmem>> -> memref<128x64xf32, #tpu.memory_space<vmem>>
      tpu.enqueue_dma source(%dma_start3A_352 : memref<128x64xf32, #tpu.memory_space<vmem>>) target(%dma_start3A_348 : memref<128x64xf32, #tpu.memory_space<hbm>>) target_semaphore(%arg8 : memref<!tpu.dma_semaphore, #tpu.memory_space<semaphore_mem>>)
      %mul3A_353 = arith.constant 512 : i32
      %mul3A_354 = arith.muli %add3A_239, %mul3A_353 : i32
      %add3A_355 = arith.addi %mul3A_2, %mul3A_354 : i32
      %add3A_356 = arith.constant 384 : i32
      %add3A_357 = arith.addi %add3A_355, %add3A_356 : i32
      %dma_start3A_358 = arith.constant 1 : i32
      %dma_start3A_359 = arith.constant 3 : i32
      %dma_start3A_360 = arith.constant 0 : i32
      %dma_start3A_361 = arith.constant 0 : i32
      %dma_start3A_362 = tpu.memref_slice %arg6[%dma_start3A_358, %dma_start3A_359, %dma_start3A_360, %dma_start3A_361] : memref<2x4x128x64xf32, #tpu.memory_space<vmem>> -> memref<1x1x128x64xf32, #tpu.memory_space<vmem>>
      %dma_start3A_363 = tpu.memref_squeeze %dma_start3A_362 : memref<1x1x128x64xf32, #tpu.memory_space<vmem>> -> memref<128x64xf32, #tpu.memory_space<vmem>>
      %dma_start3A_364 = arith.constant 0 : i32
      %dma_start3A_365 = tpu.memref_slice %arg4[%add3A_357, %dma_start3A_364] : memref<819200x64xf32, #tpu.memory_space<hbm>> -> memref<128x64xf32, #tpu.memory_space<hbm>>
      %dma_start3A_366 = arith.constant 0 : i32
      %dma_start3A_367 = tpu.memref_slice %arg4[%add3A_357, %dma_start3A_366] : memref<819200x64xf32, #tpu.memory_space<hbm>> -> memref<128x64xf32, #tpu.memory_space<hbm>>
      %dma_start3A_368 = arith.constant 0 : i32
      %dma_start3A_369 = arith.constant 0 : i32
      %dma_start3A_370 = tpu.memref_slice %arg6[%dma_start3A_358, %dma_start3A_359, %dma_start3A_368, %dma_start3A_369] : memref<2x4x128x64xf32, #tpu.memory_space<vmem>> -> memref<1x1x128x64xf32, #tpu.memory_space<vmem>>
      %dma_start3A_371 = tpu.memref_squeeze %dma_start3A_370 : memref<1x1x128x64xf32, #tpu.memory_space<vmem>> -> memref<128x64xf32, #tpu.memory_space<vmem>>
      tpu.enqueue_dma source(%dma_start3A_371 : memref<128x64xf32, #tpu.memory_space<vmem>>) target(%dma_start3A_367 : memref<128x64xf32, #tpu.memory_space<hbm>>) target_semaphore(%arg8 : memref<!tpu.dma_semaphore, #tpu.memory_space<semaphore_mem>>)
    }
    %scan3A_49 = arith.constant 25 : i32
    %dma_wait3A = arith.constant 1 : i32
    %dma_wait3A_50 = arith.constant 0 : i32
    %dma_wait3A_51 = arith.constant 0 : i32
    %dma_wait3A_52 = arith.constant 0 : i32
    %dma_wait3A_53 = tpu.memref_slice %arg6[%dma_wait3A, %dma_wait3A_50, %dma_wait3A_51, %dma_wait3A_52] : memref<2x4x128x64xf32, #tpu.memory_space<vmem>> -> memref<1x1x128x64xf32, #tpu.memory_space<vmem>>
    %dma_wait3A_54 = tpu.memref_squeeze %dma_wait3A_53 : memref<1x1x128x64xf32, #tpu.memory_space<vmem>> -> memref<128x64xf32, #tpu.memory_space<vmem>>
    %dma_wait3A_55 = arith.constant 0 : i32
    %dma_wait3A_56 = tpu.memref_slice %arg4[%mul3A_2, %dma_wait3A_55] : memref<819200x64xf32, #tpu.memory_space<hbm>> -> memref<128x64xf32, #tpu.memory_space<hbm>>
    %dma_wait3A_57 = arith.constant 0 : i32
    %dma_wait3A_58 = tpu.memref_slice %arg4[%mul3A_2, %dma_wait3A_57] : memref<819200x64xf32, #tpu.memory_space<hbm>> -> memref<128x64xf32, #tpu.memory_space<hbm>>
    %dma_wait3A_59 = arith.constant 0 : i32
    %dma_wait3A_60 = arith.constant 0 : i32
    %dma_wait3A_61 = tpu.memref_slice %arg6[%dma_wait3A, %dma_wait3A_50, %dma_wait3A_59, %dma_wait3A_60] : memref<2x4x128x64xf32, #tpu.memory_space<vmem>> -> memref<1x1x128x64xf32, #tpu.memory_space<vmem>>
    %dma_wait3A_62 = tpu.memref_squeeze %dma_wait3A_61 : memref<1x1x128x64xf32, #tpu.memory_space<vmem>> -> memref<128x64xf32, #tpu.memory_space<vmem>>
    tpu.wait_dma2 semaphore(%arg8 : memref<!tpu.dma_semaphore, #tpu.memory_space<semaphore_mem>>) src(%dma_wait3A_62 : memref<128x64xf32, #tpu.memory_space<vmem>>) dst(%dma_wait3A_58 : memref<128x64xf32, #tpu.memory_space<hbm>>)
    %dma_wait3A_63 = arith.constant 1 : i32
    %dma_wait3A_64 = arith.constant 1 : i32
    %dma_wait3A_65 = arith.constant 0 : i32
    %dma_wait3A_66 = arith.constant 0 : i32
    %dma_wait3A_67 = tpu.memref_slice %arg6[%dma_wait3A_63, %dma_wait3A_64, %dma_wait3A_65, %dma_wait3A_66] : memref<2x4x128x64xf32, #tpu.memory_space<vmem>> -> memref<1x1x128x64xf32, #tpu.memory_space<vmem>>
    %dma_wait3A_68 = tpu.memref_squeeze %dma_wait3A_67 : memref<1x1x128x64xf32, #tpu.memory_space<vmem>> -> memref<128x64xf32, #tpu.memory_space<vmem>>
    %dma_wait3A_69 = arith.constant 0 : i32
    %dma_wait3A_70 = tpu.memref_slice %arg4[%mul3A_2, %dma_wait3A_69] : memref<819200x64xf32, #tpu.memory_space<hbm>> -> memref<128x64xf32, #tpu.memory_space<hbm>>
    %dma_wait3A_71 = arith.constant 0 : i32
    %dma_wait3A_72 = tpu.memref_slice %arg4[%mul3A_2, %dma_wait3A_71] : memref<819200x64xf32, #tpu.memory_space<hbm>> -> memref<128x64xf32, #tpu.memory_space<hbm>>
    %dma_wait3A_73 = arith.constant 0 : i32
    %dma_wait3A_74 = arith.constant 0 : i32
    %dma_wait3A_75 = tpu.memref_slice %arg6[%dma_wait3A_63, %dma_wait3A_64, %dma_wait3A_73, %dma_wait3A_74] : memref<2x4x128x64xf32, #tpu.memory_space<vmem>> -> memref<1x1x128x64xf32, #tpu.memory_space<vmem>>
    %dma_wait3A_76 = tpu.memref_squeeze %dma_wait3A_75 : memref<1x1x128x64xf32, #tpu.memory_space<vmem>> -> memref<128x64xf32, #tpu.memory_space<vmem>>
    tpu.wait_dma2 semaphore(%arg8 : memref<!tpu.dma_semaphore, #tpu.memory_space<semaphore_mem>>) src(%dma_wait3A_76 : memref<128x64xf32, #tpu.memory_space<vmem>>) dst(%dma_wait3A_72 : memref<128x64xf32, #tpu.memory_space<hbm>>)
    %dma_wait3A_77 = arith.constant 1 : i32
    %dma_wait3A_78 = arith.constant 2 : i32
    %dma_wait3A_79 = arith.constant 0 : i32
    %dma_wait3A_80 = arith.constant 0 : i32
    %dma_wait3A_81 = tpu.memref_slice %arg6[%dma_wait3A_77, %dma_wait3A_78, %dma_wait3A_79, %dma_wait3A_80] : memref<2x4x128x64xf32, #tpu.memory_space<vmem>> -> memref<1x1x128x64xf32, #tpu.memory_space<vmem>>
    %dma_wait3A_82 = tpu.memref_squeeze %dma_wait3A_81 : memref<1x1x128x64xf32, #tpu.memory_space<vmem>> -> memref<128x64xf32, #tpu.memory_space<vmem>>
    %dma_wait3A_83 = arith.constant 0 : i32
    %dma_wait3A_84 = tpu.memref_slice %arg4[%mul3A_2, %dma_wait3A_83] : memref<819200x64xf32, #tpu.memory_space<hbm>> -> memref<128x64xf32, #tpu.memory_space<hbm>>
    %dma_wait3A_85 = arith.constant 0 : i32
    %dma_wait3A_86 = tpu.memref_slice %arg4[%mul3A_2, %dma_wait3A_85] : memref<819200x64xf32, #tpu.memory_space<hbm>> -> memref<128x64xf32, #tpu.memory_space<hbm>>
    %dma_wait3A_87 = arith.constant 0 : i32
    %dma_wait3A_88 = arith.constant 0 : i32
    %dma_wait3A_89 = tpu.memref_slice %arg6[%dma_wait3A_77, %dma_wait3A_78, %dma_wait3A_87, %dma_wait3A_88] : memref<2x4x128x64xf32, #tpu.memory_space<vmem>> -> memref<1x1x128x64xf32, #tpu.memory_space<vmem>>
    %dma_wait3A_90 = tpu.memref_squeeze %dma_wait3A_89 : memref<1x1x128x64xf32, #tpu.memory_space<vmem>> -> memref<128x64xf32, #tpu.memory_space<vmem>>
    tpu.wait_dma2 semaphore(%arg8 : memref<!tpu.dma_semaphore, #tpu.memory_space<semaphore_mem>>) src(%dma_wait3A_90 : memref<128x64xf32, #tpu.memory_space<vmem>>) dst(%dma_wait3A_86 : memref<128x64xf32, #tpu.memory_space<hbm>>)
    %dma_wait3A_91 = arith.constant 1 : i32
    %dma_wait3A_92 = arith.constant 3 : i32
    %dma_wait3A_93 = arith.constant 0 : i32
    %dma_wait3A_94 = arith.constant 0 : i32
    %dma_wait3A_95 = tpu.memref_slice %arg6[%dma_wait3A_91, %dma_wait3A_92, %dma_wait3A_93, %dma_wait3A_94] : memref<2x4x128x64xf32, #tpu.memory_space<vmem>> -> memref<1x1x128x64xf32, #tpu.memory_space<vmem>>
    %dma_wait3A_96 = tpu.memref_squeeze %dma_wait3A_95 : memref<1x1x128x64xf32, #tpu.memory_space<vmem>> -> memref<128x64xf32, #tpu.memory_space<vmem>>
    %dma_wait3A_97 = arith.constant 0 : i32
    %dma_wait3A_98 = tpu.memref_slice %arg4[%mul3A_2, %dma_wait3A_97] : memref<819200x64xf32, #tpu.memory_space<hbm>> -> memref<128x64xf32, #tpu.memory_space<hbm>>
    %dma_wait3A_99 = arith.constant 0 : i32
    %dma_wait3A_100 = tpu.memref_slice %arg4[%mul3A_2, %dma_wait3A_99] : memref<819200x64xf32, #tpu.memory_space<hbm>> -> memref<128x64xf32, #tpu.memory_space<hbm>>
    %dma_wait3A_101 = arith.constant 0 : i32
    %dma_wait3A_102 = arith.constant 0 : i32
    %dma_wait3A_103 = tpu.memref_slice %arg6[%dma_wait3A_91, %dma_wait3A_92, %dma_wait3A_101, %dma_wait3A_102] : memref<2x4x128x64xf32, #tpu.memory_space<vmem>> -> memref<1x1x128x64xf32, #tpu.memory_space<vmem>>
    %dma_wait3A_104 = tpu.memref_squeeze %dma_wait3A_103 : memref<1x1x128x64xf32, #tpu.memory_space<vmem>> -> memref<128x64xf32, #tpu.memory_space<vmem>>
    tpu.wait_dma2 semaphore(%arg8 : memref<!tpu.dma_semaphore, #tpu.memory_space<semaphore_mem>>) src(%dma_wait3A_104 : memref<128x64xf32, #tpu.memory_space<vmem>>) dst(%dma_wait3A_100 : memref<128x64xf32, #tpu.memory_space<hbm>>)
    return
  }
}

</mosaic_0001>

<sc_bundles>
// kernel: kernel.3.cloned.1.call-start
scs
__scs_entry_jumppad:
0x0: {  	(pc) =	sbr.rel $0x88, $3  }
0x1: {  	(tag) =	ssettag $0x0;
	lr =	simm.s32 $0x1  }
0x2: {  	[smem:$0x3F9F] =	sst lr;
	_ =	strace $0xD0000000  }
0x3: {  	_ = 	snop  }
0x4: {  	_ = 	snop  }
0x5: {  	_ = 	snop  }
0x6: {  	_ = 	snop  }
0x7: {  	_ = 	snop  }
__scs_overlays_trampoline_lowered:
0x8: {  	[smem:$0x3FAE] =	sst s0  }
0x9: {  	[smem:$0x3FAF] =	sst s1  }
0xa: {  	[smem:$0x3FB0] =	sst s2  }
0xb: {  	[smem:$0x3FB1] =	sst s3  }
0xc: {  	[smem:$0x3FB2] =	sst s4  }
0xd: {  	[smem:$0x3FB3] =	sst s5  }
0xe: {  	[smem:$0x3FB4] =	sst s6  }
0xf: {  	[smem:$0x3FB5] =	sst s7  }
0x10: {  	[smem:$0x3FB6] =	sst s8  }
0x11: {  	[smem:$0x3FB7] =	sst s9;
	s0 =	simm.s32 @!p0 $0x0  }
0x12: {  	s1 =	sld [smem:$0x3F9D];
	s0 =	simm.s32 @p0 $0x1  }
0x13: {  	[smem:$0x3FB8] =	sst s0;
	s0 =	simm.s32 @!p1 $0x0  }
0x14: {  	s2 =	sld [smem:$0x3F9C];
	s0 =	simm.s32 @p1 $0x1  }
0x15: {  	[smem:$0x3FB9] =	sst s0;
	s0 =	simm.s32 @!p2 $0x0  }
0x16: {  	s3 =	sld [smem:$0x3FDB];
	s0 =	simm.s32 @p2 $0x1  }
0x17: {  	s4 =	simm.s32 $0x1BF5;
	[smem:$0x3FBB] =	sst s0  }
0x18: {  	s0 =	sld [smem:$0x3F9E];
	_ =	swait.ge [sflag:s4], $0x0  }
0x19: {  	s7 =	sld [smem:$0x3F9F]  }
0x1a: {  	s8 =	sadd.s32 $0xFFFFE003, lr  }
0x1b: {  	s9 =	sadd.s32 $0xFFFFFEF7, lr;
	s5 =	simm.s32 $0xFFFFFFFF;
	p2 =	slt.u32 s8, $0xFFFFF086  }
0x1c: {  	p1 =	slt.u32 s9, $0xF7A;
	s5 =	simm.s32 @!p2 $0x0  }
0x1d: {  	s5 =	simm.s32 @p1 $0x1;
	p0 =	seq.s32 s7, s2  }
0x1e: {  	s7 =	smul.u32 @!p0 $0xF7A, s2;
	p2 =	seq.s32 @!p0 s5, $0x0  }
0x1f: {  	s9 =	smul.u32 $0xF7A, s1;
	s8 =	simm.s32 @!p0 $0x1BF5;
	p2 =	por !p2, p0  }
0x20: {  	[sflag:s8] =	ssyncset.s32 @!p0 $0xFFFFF086;
	s6 =	sadd.s32 @!p0 s3, s7;
	s7 =	simm.s32 @!p0 $0x108  }
0x21: {  	s3 =	sadd.s32 s3, s9;
	s6 =	sadd.s32 @!p0 $0x88, s6;
	s7 =	simm.s32 @p2 $0x1082  }
0x22: {  	[simem:s7], [sflag:s8] =	dma.local @!p0 [hbm:s6], $0xF7A  }
0x23: {  	s9 =	sor.u32 $0xD0000000, s2;
	s6 =	simm.s32 $0x108;
	_ =	swait.ge @!p0 [sflag:s8], $0x0  }
0x24: {  	s3 =	sadd.s32 $0x88, s3;
	s6 =	simm.s32 @!p1 $0x1082;
	[sflag:s4] =	ssyncset.s32 $0xFFFFF086  }
0x25: {  	[simem:s6], [sflag:s4] =	dma.local [hbm:s3], $0xF7A  }
0x26: {  	[smem:$0x3F9F] =	sst s1;
	(tag) =	ssettag s2;
	_ =	strace s9  }
0x27: {  	s1 =	sld [smem:$0x3FAF]  }
0x28: {  	s2 =	sld [smem:$0x3FB0]  }
0x29: {  	s4 =	sld [smem:$0x3FB2]  }
0x2a: {  	p0 =	seq.s32 s5, $0x0;
	s5 =	sld [smem:$0x3FB3]  }
0x2b: {  	s6 =	sld [smem:$0x3FB4]  }
0x2c: {  	s7 =	sld [smem:$0x3FB5]  }
0x2d: {  	s3 =	simm.s32 $0x108;
	s8 =	sld [smem:$0x3FB6]  }
0x2e: {  	s3 =	simm.s32 @!p0 $0x1082;
	s9 =	sld [smem:$0x3FB7]  }
0x2f: {  	lr =	sadd.s32 s0, s3;
	s0 =	sld [smem:$0x3FAE]  }
0x30: {  	s3 =	sld [smem:$0x3FB1]  }
0x31: {  	[smem:$0x3FBA] =	sst s10  }
0x32: {  	s10 =	sld [smem:$0x3FB8];
	_ =	sdelay $0x3  }
0x33: {  	p0 =	seq.s32 s10, $0x1;
	s10 =	sld [smem:$0x3FBA];
	_ =	sdelay $0x3  }
0x34: {  	[smem:$0x3FBA] =	sst s10  }
0x35: {  	s10 =	sld [smem:$0x3FB9];
	_ =	sdelay $0x3  }
0x36: {  	p1 =	seq.s32 s10, $0x1;
	s10 =	sld [smem:$0x3FBA];
	_ =	sdelay $0x3  }
0x37: {  	[smem:$0x3FBA] =	sst s10  }
0x38: {  	s10 =	sld [smem:$0x3FBB]  }
0x39: {  	_ = 	snop;
	(pc) =	sbr.ind lr, $3  }
0x3a: {  	_ = 	snop  }
0x3b: {  	_ = 	snop  }
0x3c: {  	p2 =	seq.s32 s10, $0x1;
	s10 =	sld [smem:$0x3FBA]  }
0x3d: {  	_ =	shalt  }
0x3e: {  	_ =	shalt  }
0x3f: {  	_ =	shalt  }
0x40: {  	_ =	shalt  }
0x41: {  	_ =	shalt  }
0x42: {  	_ =	shalt  }
0x43: {  	_ =	shalt  }
0x44: {  	_ =	shalt  }
0x45: {  	_ =	shalt  }
0x46: {  	_ =	shalt  }
0x47: {  	_ =	shalt  }
0x48: {  	_ =	shalt  }
0x49: {  	_ =	shalt  }
0x4a: {  	_ =	shalt  }
0x4b: {  	_ =	shalt  }
0x4c: {  	_ =	shalt  }
0x4d: {  	_ =	shalt  }
0x4e: {  	_ =	shalt  }
0x4f: {  	_ =	shalt  }
0x50: {  	_ =	shalt  }
0x51: {  	_ =	shalt  }
0x52: {  	_ =	shalt  }
0x53: {  	_ =	shalt  }
0x54: {  	_ =	shalt  }
0x55: {  	_ =	shalt  }
0x56: {  	_ =	shalt  }
0x57: {  	_ =	shalt  }
0x58: {  	_ =	shalt  }
0x59: {  	_ =	shalt  }
0x5a: {  	_ =	shalt  }
0x5b: {  	_ =	shalt  }
0x5c: {  	_ =	shalt  }
0x5d: {  	_ =	shalt  }
0x5e: {  	_ =	shalt  }
0x5f: {  	_ =	shalt  }
0x60: {  	_ =	shalt  }
0x61: {  	_ =	shalt  }
0x62: {  	_ =	shalt  }
0x63: {  	_ =	shalt  }
0x64: {  	_ =	shalt  }
0x65: {  	_ =	shalt  }
0x66: {  	_ =	shalt  }
0x67: {  	_ =	shalt  }
0x68: {  	_ =	shalt  }
0x69: {  	_ =	shalt  }
0x6a: {  	_ =	shalt  }
0x6b: {  	_ =	shalt  }
0x6c: {  	_ =	shalt  }
0x6d: {  	_ =	shalt  }
0x6e: {  	_ =	shalt  }
0x6f: {  	_ =	shalt  }
0x70: {  	_ =	shalt  }
0x71: {  	_ =	shalt  }
0x72: {  	_ =	shalt  }
0x73: {  	_ =	shalt  }
0x74: {  	_ =	shalt  }
0x75: {  	_ =	shalt  }
0x76: {  	_ =	shalt  }
0x77: {  	_ =	shalt  }
0x78: {  	_ =	shalt  }
0x79: {  	_ =	shalt  }
0x7a: {  	_ =	shalt  }
0x7b: {  	_ =	shalt  }
0x7c: {  	_ =	shalt  }
0x7d: {  	_ =	shalt  }
0x7e: {  	_ =	shalt  }
0x7f: {  	_ =	shalt  }
0x80: {  	_ =	shalt  }
0x81: {  	_ =	shalt  }
0x82: {  	_ =	shalt  }
0x83: {  	_ =	shalt  }
0x84: {  	_ =	shalt  }
0x85: {  	_ =	shalt  }
0x86: {  	_ =	shalt  }
0x87: {  	_ =	shalt  }
.Lfunc_end0:
.L_simem_size_0:
called_computation.1_lowered:
.L_overlay_start_0:
0x88: {  	s2 =	sld [smem:$0x3FD9]  }
0x89: {  	s3 =	sld [smem:$0x3FFE];
	_ =	sdelay $0x1  }
0x8a: {  	s1 =	srdreg.scid  }
0x8b: {  	s0 =	sand.u32 $0x1, s1  }
0x8c: {  	s17 =	sshll.u32 s0, $0xA;
	s2 =	sadd.s32 s3, s2  }
0x8d: {  	s2 =	sadd.s32 s2, s17  }
0x8e: {  	[smem:$0x3FC6] =	sst s2  }
0x8f: {  	_ = 	snop  }
0x90: {  	s2 =	sld [smem:$0x3FD0];
	(tm) =	ssettm $0x1  }
0x91: {  	s18 =	sld [smem:$0x3FFB];
	_ =	sdelay $0x3  }
0x92: {  	_ =	strace s18  }
0x93: {  	s3 =	sld [smem:$0x3FFC];
	_ =	sdelay $0x3  }
0x94: {  	_ =	strace s3  }
0x95: {  	s3 =	sld [smem:$0x3FFD];
	_ =	sdelay $0x3  }
0x96: {  	_ =	strace s3  }
0x97: {  	_ =	strace $0x8FFFFFFF  }
0x98: {  	s19 =	sld [smem:$0x3FDB];
	_ =	sdelay $0x1  }
0x99: {  	s4 =	simm.s32 $_scs_section_size  }
0x9a: {  	s5 =	simm.s32 $_size__tile_overlayer_lowered;
	s6 =	simm.s32 $_tile_overlayer_lowered  }
0x9b: {  	s22 =	simm.s32 $0x1BFF;
	s21 =	sshll.u32 s6, $0x1;
	s3 =	sadd.s32 s4, s19  }
0x9c: {  	s7 =	simm.s32 $0x0;
	s20 =	sshll.u32 s5, $0x1;
	s5 =	sadd.s32 s21, s3  }
0x9d: {  	[timem:s7], [sflag:s22] =	dma.local [hbm:s5], s20  }
0x9e: {  	_ =	swait.ge [sflag:s22], s20  }
0x9f: {  	s4 =	ssub.s32 $0x0, s20;
	[sflag:s22] =	ssyncset.done $0x0  }
0xa0: {  	[sflag:s22] =	ssyncadd.s32 s4;
	_ =	sdelay $0x1  }
0xa1: {  	s23 =	simm.s32 $0x1B8B  }
0xa2: {  	_ =	swait.ge [sflag:s23], $0x1  }
0xa3: {  	[sflag:s23] =	ssyncset.done $0x0  }
0xa4: {  	s25 =	simm.s32 $0x1B8E;
	s24 =	sld [smem:$0x3FFE];
	[sflag:s23] =	ssyncadd.s32 $0xFFFFFFFF  }
0xa5: {  	s26 =	simm.s32 $execute0_lowered;
	[smem:$0x3FD2] =	sst s25  }
0xa6: {  	s5 =	sshll.u32 s26, $0x1;
	_ =	strace $0x80000046;
	[dreg:$0x1] =	wrdreg $0xFFFFFFFF  }
0xa7: {  	s28 =	simm.s32 $_size_execute0_lowered;
	s3 =	sadd.s32 s3, s5;
	[dreg:$0x0] =	wrdreg $0x0  }
0xa8: {  	s5 =	sshll.u32 s28, $0x1;
	[dreg:$0x2] =	wrdreg s3  }
0xa9: {  	[dreg:$0x3] =	wrdreg s5  }
0xaa: {  	[dreg:$0x4] =	wrdreg $0xC0  }
0xab: {  	_ =	task [dreg:s7], $0x5FFFF  }
0xac: {  	[dreg:$0x1] =	wrdreg $0xFFFFFFFF  }
0xad: {  	[dreg:$0x0] =	wrdreg $0x60  }
0xae: {  	[dreg:$0x2] =	wrdreg s24  }
0xaf: {  	[dreg:$0x3] =	wrdreg s2  }
0xb0: {  	[dreg:$0x4] =	wrdreg $0x9  }
0xb1: {  	_ =	task.clear_ibuf [dreg:s7], $0x5FFFF;
	_ =	strace $0x90000046  }
0xb2: {  	s29 =	simm.s32 $0x9;
	_ =	strace $0x80000048  }
0xb3: {  	_ =	swait.ge [sflag:s29], $0x1  }
0xb4: {  	[sflag:s29] =	ssyncadd.s32 $0xFFFFFFFF  }
0xb5: {  	_ =	strace $0x90000048  }
0xb6: {  	_ =	sfence  }
0xb7: {  	s30 =	sld [smem:$0x0];
	_ =	sdelay $0x2  }
0xb8: {  	s31 =	sshll.u32 s1, $0xD;
	s1 =	sshrl.u32 s1, $0x2  }
0xb9: {  	s3 =	sand.u32 $0x4000, s31;
	s1 =	sadd.s32 s1, s30  }
0xba: {  	s0 =	sor.u32 s3, s0;
	s1 =	sshll.u32 s1, $0x11  }
0xbb: {  	s0 =	sor.u32 s1, s0  }
0xbc: {  	s0 =	sadd.s32 $0x8F2B, s0  }
0xbd: {  	[sflag:s0] =	ssyncadd.remote.s32 $0x1  }
0xbe: {  	_ =	sfence.sel $0xFFFF  }
0xbf: {  	[dreg:$0x0] =	wrdreg $0xFFFFFFFF;
	(pc) =	sbr.abs _section_cstart, $3  }
0xc0: {  	[dreg:$0x1] =	wrdreg $0xFFFFFFFF  }
0xc1: {  	_ =	task.clear_ibuf [dreg:s7], $0x2FFFF;
	_ =	strace $0x9FFFFFFF  }
0xc2: {  	(tm) =	ssettm $0x7FFFFFFF  }
0xc3: {  	_ =	shalt  }
tec
execute0_lowered:
.L_overlay_start_1:
0x0: {  	(tag) =	ssettag $0x1  }
0x1: {  	s1 =	srdreg.scid;
	s3 =	rddreg [dreg:$0x0]  }
0x2: {  	s0 =	stileid.u32;
	s5 =	rddreg [dreg:$0x1];
	s2 =	simm.s32 $0x0  }
0x3: {  	s11 =	simm.s32 $0xA400;
	s12 =	simm.s32 $0x180;
	s13 =	simm.s32 $0xC400  }
0x4: {  	s14 =	simm.s32 $0xE400;
	s15 =	simm.s32 $0x10400;
	s16 =	simm.s32 $0x12400  }
0x5: {  	s17 =	simm.s32 $0x14400;
	s18 =	simm.s32 $0x1;
	s7 =	smul.u32 $0xC800, s0  }
0x6: {  	s19 =	simm.s32 $0x2;
	s4 =	sand.u32 $0x1, s1;
	s9 =	smul.u32 $0x64000, s0  }
0x7: {  	s20 =	simm.s32 $0x0;
	s26 =	sshll.u32 s0, $0x1;
	s8 =	smul.u32 $0x6400, s4  }
0x8: {  	[smem:$0x7FF] =	sst s2;
	s1 =	sor.u32 s4, s26;
	s10 =	smul.u32 $0x32000, s4  }
0x9: {  	s4 =	ssub.s32 $0x2, s4;
	s6 =	smul.u32 $0x6400, s1;
	s1 =	rddreg [dreg:$0x2]  }
0xa: {  	_ =	strace $0x80000047;
	s28 =	sadd.s32 s9, s5;
	s29 =	sshrl.u32 s4, $0x1  }
0xb: {  	s9 =	simm.s32 $0x8400;
	s7 =	sadd.s32 s8, s7;
	s8 =	sadd.s32 s10, s28  }
0xc: {  	s30 =	ssub.s32 s4, s29;
	s10 =	simm.s32 $0x100;
	s6 =	sshrl.u32 s6, $0x3  }
0xd: {  	s7 =	sshll.u32 s7, $0x3;
	[dreg:$0x3] =	wrdreg s8;
	s8 =	simm.s32 $0x6400  }
0xe: {  	s6 =	sadd.s32 s6, s3;
	s3 =	sadd.s32 $0xF42E00, s3;
	s5 =	sadd.s32 s7, s5  }
0xf: {  	s7 =	simm.s32 $0x80;
	s31 =	sadd.s32 $0x1000, s5;
	s4 =	sadd.s32 $0xA00, s6  }
0x10: {  	s5 =	smax.u32 s30, $0x1;
	s6 =	simm.s32 $0x3;
	[dreg:$0x4] =	wrdreg s31  }
.LBB2_1:
0x11: {  	[tilespmem:s2], [sflag:$0x3] =	stream.linear.gather [hbm4b:s4+s2], $0x6400, $0x38;
	[tilespmem:$0x16400] =	vst v63  }
0x12: {  	_ =	swait.ge [sflag:s6], $0x6400  }
0x13: {  	[sflag:s6] =	ssyncset.done $0x0  }
0x14: {  	[sflag:s6] =	ssyncadd.s32 $0xFFFF9C00  }
0x15: {  	[tilespmem:s8], [sflag:$0x1] =	stream.indirect.gather [hbm4b:s3+s7], $0x40, s2, s7, $0xb8;
	[tilespmem:$0x16400] =	vst v63  }
0x16: {  	p0 =	por $0x1, $0x1  }
0x17: {  	[tilespmem:s9], [sflag:$0x1] =	stream.indirect.gather [hbm4b:s3+s7], $0x40, s7, s7, $0xb8;
	[tilespmem:$0x16400] =	vst v63  }
0x18: {  	p0 =	por p0, p0  }
0x19: {  	[tilespmem:s11], [sflag:$0x1] =	stream.indirect.gather [hbm4b:s3+s7], $0x40, s10, s7, $0xb8;
	[tilespmem:$0x16400] =	vst v63  }
0x1a: {  	s21 =	simm.s32 @!p0 $0x2  }
0x1b: {  	[tilespmem:s13], [sflag:$0x1] =	stream.indirect.gather [hbm4b:s3+s7], $0x40, s12, s7, $0xb8;
	[tilespmem:$0x16400] =	vst v63  }
0x1c: {  	_ =	swait.ge @!p0 [sflag:s21], $0x2000  }
0x1d: {  	[sflag:s21] =	ssyncset.done @!p0 $0x0  }
0x1e: {  	[sflag:s21] =	ssyncadd.s32 @!p0 $0xFFFFE000  }
0x1f: {  	_ =	swait.ge @!p0 [sflag:s21], $0x2000  }
0x20: {  	[sflag:s21] =	ssyncset.done @!p0 $0x0  }
0x21: {  	[sflag:s21] =	ssyncadd.s32 @!p0 $0xFFFFE000  }
0x22: {  	_ =	swait.ge @!p0 [sflag:s21], $0x2000  }
0x23: {  	[sflag:s21] =	ssyncset.done @!p0 $0x0  }
0x24: {  	[sflag:s21] =	ssyncadd.s32 @!p0 $0xFFFFE000  }
0x25: {  	_ =	swait.ge @!p0 [sflag:s21], $0x2000  }
0x26: {  	[sflag:s21] =	ssyncset.done @!p0 $0x0  }
0x27: {  	s22 =	simm.s32 $0x200;
	[sflag:s21] =	ssyncadd.s32 @!p0 $0xFFFFE000  }
0x28: {  	[tilespmem:s14], [sflag:$0x1] =	stream.indirect.gather [hbm4b:s3+s7], $0x40, s22, s7, $0xb8;
	[tilespmem:$0x16400] =	vst v63  }
0x29: {  	s23 =	simm.s32 $0x280  }
0x2a: {  	[tilespmem:s15], [sflag:$0x1] =	stream.indirect.gather [hbm4b:s3+s7], $0x40, s23, s7, $0xb8;
	[tilespmem:$0x16400] =	vst v63  }
0x2b: {  	s24 =	simm.s32 $0x300  }
0x2c: {  	[tilespmem:s16], [sflag:$0x1] =	stream.indirect.gather [hbm4b:s3+s7], $0x40, s24, s7, $0xb8;
	[tilespmem:$0x16400] =	vst v63  }
0x2d: {  	s25 =	simm.s32 $0x380  }
0x2e: {  	[tilespmem:s17], [sflag:$0x1] =	stream.indirect.gather [hbm4b:s3+s7], $0x40, s25, s7, $0xb8;
	[tilespmem:$0x16400] =	vst v63  }
0x2f: {  	_ =	swait.ge [sflag:s18], $0x2000  }
0x30: {  	[sflag:s18] =	ssyncset.done $0x0  }
0x31: {  	[sflag:s18] =	ssyncadd.s32 $0xFFFFE000  }
0x32: {  	_ =	swait.ge [sflag:s18], $0x2000  }
0x33: {  	[sflag:s18] =	ssyncset.done $0x0  }
0x34: {  	[sflag:s18] =	ssyncadd.s32 $0xFFFFE000  }
0x35: {  	_ =	swait.ge [sflag:s18], $0x2000  }
0x36: {  	[sflag:s18] =	ssyncset.done $0x0  }
0x37: {  	[sflag:s18] =	ssyncadd.s32 $0xFFFFE000  }
0x38: {  	_ =	swait.ge [sflag:s18], $0x2000  }
0x39: {  	s26 =	rddreg [dreg:$0x3];
	[sflag:s18] =	ssyncset.done $0x0  }
0x3a: {  	[sflag:s18] =	ssyncadd.s32 $0xFFFFE000;
	s21 =	sadd.s32 $0x0, s26  }
0x3b: {  	[hbm4b:s21+s2] =	stream.linear.scatter [tilespmem:s8], [sflag:$0x2], $0x2000, $0x38;
	[tilespmem:$0x16400] =	vst v63  }
0x3c: {  	s22 =	sadd.s32 $0x400, s21  }
0x3d: {  	[hbm4b:s22+s2] =	stream.linear.scatter [tilespmem:s9], [sflag:$0x2], $0x2000, $0x38;
	[tilespmem:$0x16400] =	vst v63  }
0x3e: {  	s28 =	sadd.s32 $0x800, s21  }
0x3f: {  	[hbm4b:s28+s2] =	stream.linear.scatter [tilespmem:s11], [sflag:$0x2], $0x2000, $0x38;
	[tilespmem:$0x16400] =	vst v63  }
0x40: {  	s21 =	sadd.s32 $0xC00, s21  }
0x41: {  	[hbm4b:s21+s2] =	stream.linear.scatter [tilespmem:s13], [sflag:$0x2], $0x2000, $0x38;
	[tilespmem:$0x16400] =	vst v63  }
0x42: {  	_ =	swait.ge [sflag:s19], $0x2000  }
0x43: {  	[sflag:s19] =	ssyncset.done $0x0  }
0x44: {  	[sflag:s19] =	ssyncadd.s32 $0xFFFFE000  }
0x45: {  	_ =	swait.ge [sflag:s19], $0x2000  }
0x46: {  	[sflag:s19] =	ssyncset.done $0x0  }
0x47: {  	[sflag:s19] =	ssyncadd.s32 $0xFFFFE000  }
0x48: {  	_ =	swait.ge [sflag:s19], $0x2000  }
0x49: {  	[sflag:s19] =	ssyncset.done $0x0  }
0x4a: {  	[sflag:s19] =	ssyncadd.s32 $0xFFFFE000  }
0x4b: {  	p0 =	por $0x0, $0x0;
	_ =	swait.ge [sflag:s19], $0x2000  }
0x4c: {  	s23 =	simm.s32 @!p0 $0x6400;
	[sflag:s19] =	ssyncset.done $0x0  }
0x4d: {  	s22 =	simm.s32 @!p0 $0x80;
	s21 =	simm.s32 @!p0 $0x400;
	[sflag:s19] =	ssyncadd.s32 $0xFFFFE000  }
0x4e: {  	[tilespmem:s23], [sflag:$0x1] =	stream.indirect.gather @!p0 [hbm4b:s3+s22], $0x40, s21, s22, $0xb8;
	[tilespmem:$0x16400] =	vst v63  }
0x4f: {  	s21 =	simm.s32 @!p0 $0x480;
	s23 =	simm.s32 @!p0 $0x8400  }
0x50: {  	[tilespmem:s23], [sflag:$0x1] =	stream.indirect.gather @!p0 [hbm4b:s3+s22], $0x40, s21, s22, $0xb8;
	[tilespmem:$0x16400] =	vst v63  }
0x51: {  	s21 =	simm.s32 @!p0 $0x500;
	s23 =	simm.s32 @!p0 $0xA400  }
0x52: {  	[tilespmem:s23], [sflag:$0x1] =	stream.indirect.gather @!p0 [hbm4b:s3+s22], $0x40, s21, s22, $0xb8;
	[tilespmem:$0x16400] =	vst v63  }
0x53: {  	s21 =	simm.s32 $0x580;
	s23 =	simm.s32 @!p0 $0xC400  }
0x54: {  	[tilespmem:s23], [sflag:$0x1] =	stream.indirect.gather @!p0 [hbm4b:s3+s22], $0x40, s21, s22, $0xb8;
	[tilespmem:$0x16400] =	vst v63  }
0x55: {  	_ =	swait.ge [sflag:s18], $0x2000  }
0x56: {  	[sflag:s18] =	ssyncset.done $0x0  }
0x57: {  	[sflag:s18] =	ssyncadd.s32 $0xFFFFE000  }
0x58: {  	_ =	swait.ge [sflag:s18], $0x2000  }
0x59: {  	[sflag:s18] =	ssyncset.done $0x0  }
0x5a: {  	[sflag:s18] =	ssyncadd.s32 $0xFFFFE000  }
0x5b: {  	_ =	swait.ge [sflag:s18], $0x2000  }
0x5c: {  	[sflag:s18] =	ssyncset.done $0x0  }
0x5d: {  	[sflag:s18] =	ssyncadd.s32 $0xFFFFE000  }
0x5e: {  	_ =	swait.ge [sflag:s18], $0x2000  }
0x5f: {  	p6 =	por $0x0, $0x0;
	s29 =	rddreg [dreg:$0x4];
	[sflag:s18] =	ssyncset.done $0x0  }
0x60: {  	s23 =	simm.s32 $0x4000;
	[sflag:s18] =	ssyncadd.s32 $0xFFFFE000;
	s30 =	sadd.s32 $0x0, s29  }
0x61: {  	[hbm4b:s30+s2] =	stream.linear.scatter [tilespmem:s14], [sflag:$0x2], $0x2000, $0x38;
	[tilespmem:$0x16400] =	vst v63  }
0x62: {  	p0 =	por p6, p6;
	s22 =	simm.s32 $0x980;
	s21 =	sadd.s32 $0x400, s30  }
0x63: {  	[hbm4b:s21+s2] =	stream.linear.scatter [tilespmem:s15], [sflag:$0x2], $0x2000, $0x38;
	[tilespmem:$0x16400] =	vst v63  }
0x64: {  	s31 =	sadd.s32 $0x800, s30;
	s25 =	sadd.s32 $0xC00, s30;
	s21 =	simm.s32 $0x2000  }
0x65: {  	[hbm4b:s31+s2] =	stream.linear.scatter [tilespmem:s16], [sflag:$0x2], $0x2000, $0x38;
	[tilespmem:$0x16400] =	vst v63  }
.LBB2_2:
0x66: {  	s26 =	simm.s32 @!p0 $0x2  }
0x67: {  	[hbm4b:s25+s2] =	stream.linear.scatter [tilespmem:s17], [sflag:$0x2], $0x2000, $0x38;
	[tilespmem:$0x16400] =	vst v63  }
0x68: {  	_ =	swait.ge @!p0 [sflag:s26], $0x2000  }
0x69: {  	[sflag:s26] =	ssyncset.done @!p0 $0x0  }
0x6a: {  	[sflag:s26] =	ssyncadd.s32 @!p0 $0xFFFFE000  }
0x6b: {  	_ =	swait.ge @!p0 [sflag:s26], $0x2000  }
0x6c: {  	[sflag:s26] =	ssyncset.done @!p0 $0x0  }
0x6d: {  	[sflag:s26] =	ssyncadd.s32 @!p0 $0xFFFFE000  }
0x6e: {  	_ =	swait.ge @!p0 [sflag:s26], $0x2000  }
0x6f: {  	[sflag:s26] =	ssyncset.done @!p0 $0x0  }
0x70: {  	[sflag:s26] =	ssyncadd.s32 @!p0 $0xFFFFE000  }
0x71: {  	_ =	swait.ge @!p0 [sflag:s26], $0x2000  }
0x72: {  	[sflag:s26] =	ssyncset.done @!p0 $0x0  }
0x73: {  	s31 =	sadd.s32 $0xFFFFFC80, s22;
	[sflag:s26] =	ssyncadd.s32 @!p0 $0xFFFFE000  }
0x74: {  	[tilespmem:s14], [sflag:$0x1] =	stream.indirect.gather [hbm4b:s3+s7], $0x40, s31, s7, $0xb8;
	[tilespmem:$0x16400] =	vst v63  }
0x75: {  	s26 =	sadd.s32 $0xFFFFFD00, s22  }
0x76: {  	[tilespmem:s15], [sflag:$0x1] =	stream.indirect.gather [hbm4b:s3+s7], $0x40, s26, s7, $0xb8;
	[tilespmem:$0x16400] =	vst v63  }
0x77: {  	s28 =	sadd.s32 $0xFFFFFD80, s22  }
0x78: {  	[tilespmem:s16], [sflag:$0x1] =	stream.indirect.gather [hbm4b:s3+s7], $0x40, s28, s7, $0xb8;
	[tilespmem:$0x16400] =	vst v63  }
0x79: {  	s29 =	sadd.s32 $0xFFFFFE00, s22  }
0x7a: {  	[tilespmem:s17], [sflag:$0x1] =	stream.indirect.gather [hbm4b:s3+s7], $0x40, s29, s7, $0xb8;
	[tilespmem:$0x16400] =	vst v63  }
0x7b: {  	_ =	swait.ge [sflag:s18], $0x2000  }
0x7c: {  	[sflag:s18] =	ssyncset.done $0x0  }
0x7d: {  	[sflag:s18] =	ssyncadd.s32 $0xFFFFE000  }
0x7e: {  	_ =	swait.ge [sflag:s18], $0x2000  }
0x7f: {  	[sflag:s18] =	ssyncset.done $0x0  }
0x80: {  	[sflag:s18] =	ssyncadd.s32 $0xFFFFE000  }
0x81: {  	_ =	swait.ge [sflag:s18], $0x2000  }
0x82: {  	[sflag:s18] =	ssyncset.done $0x0  }
0x83: {  	[sflag:s18] =	ssyncadd.s32 $0xFFFFE000  }
0x84: {  	_ =	swait.ge [sflag:s18], $0x2000  }
0x85: {  	s30 =	rddreg [dreg:$0x3];
	[sflag:s18] =	ssyncset.done $0x0  }
0x86: {  	[sflag:s18] =	ssyncadd.s32 $0xFFFFE000;
	s25 =	sadd.s32 s21, s30  }
0x87: {  	[hbm4b:s25+s2] =	stream.linear.scatter [tilespmem:s8], [sflag:$0x2], $0x2000, $0x38;
	[tilespmem:$0x16400] =	vst v63  }
0x88: {  	s31 =	sadd.s32 $0x400, s25  }
0x89: {  	[hbm4b:s31+s2] =	stream.linear.scatter [tilespmem:s9], [sflag:$0x2], $0x2000, $0x38;
	[tilespmem:$0x16400] =	vst v63  }
0x8a: {  	s28 =	sadd.s32 $0x800, s25  }
0x8b: {  	[hbm4b:s28+s2] =	stream.linear.scatter [tilespmem:s11], [sflag:$0x2], $0x2000, $0x38;
	[tilespmem:$0x16400] =	vst v63  }
0x8c: {  	s25 =	sadd.s32 $0xC00, s25  }
0x8d: {  	[hbm4b:s25+s2] =	stream.linear.scatter [tilespmem:s13], [sflag:$0x2], $0x2000, $0x38;
	[tilespmem:$0x16400] =	vst v63  }
0x8e: {  	_ =	swait.ge [sflag:s19], $0x2000  }
0x8f: {  	[sflag:s19] =	ssyncset.done $0x0  }
0x90: {  	[sflag:s19] =	ssyncadd.s32 $0xFFFFE000  }
0x91: {  	_ =	swait.ge [sflag:s19], $0x2000  }
0x92: {  	[sflag:s19] =	ssyncset.done $0x0  }
0x93: {  	[sflag:s19] =	ssyncadd.s32 $0xFFFFE000  }
0x94: {  	_ =	swait.ge [sflag:s19], $0x2000  }
0x95: {  	[sflag:s19] =	ssyncset.done $0x0  }
0x96: {  	p2 =	seq.s32 s23, $0x0;
	[sflag:s19] =	ssyncadd.s32 $0xFFFFE000  }
0x97: {  	p0 =	por p2, p2;
	p2 =	seq.s32 s21, $0x30000;
	_ =	swait.ge [sflag:s19], $0x2000  }
0x98: {  	s26 =	simm.s32 @!p2 $0x80;
	[sflag:s19] =	ssyncset.done $0x0  }
0x99: {  	s28 =	simm.s32 @!p2 $0x6400;
	s25 =	sadd.s32 @!p2 $0xFFFFFE80, s22;
	[sflag:s19] =	ssyncadd.s32 $0xFFFFE000  }
0x9a: {  	[tilespmem:s28], [sflag:$0x1] =	stream.indirect.gather @!p2 [hbm4b:s3+s26], $0x40, s25, s26, $0xb8;
	[tilespmem:$0x16400] =	vst v63  }
0x9b: {  	s29 =	sadd.s32 @!p2 $0xFFFFFF00, s22;
	s30 =	simm.s32 @!p2 $0x8400  }
0x9c: {  	[tilespmem:s30], [sflag:$0x1] =	stream.indirect.gather @!p2 [hbm4b:s3+s26], $0x40, s29, s26, $0xb8;
	[tilespmem:$0x16400] =	vst v63  }
0x9d: {  	s25 =	sadd.s32 @!p2 $0xFFFFFF80, s22;
	s28 =	simm.s32 @!p2 $0xA400  }
0x9e: {  	[tilespmem:s28], [sflag:$0x1] =	stream.indirect.gather @!p2 [hbm4b:s3+s26], $0x40, s25, s26, $0xb8;
	[tilespmem:$0x16400] =	vst v63  }
0x9f: {  	s29 =	simm.s32 @!p2 $0xC400  }
0xa0: {  	[tilespmem:s29], [sflag:$0x1] =	stream.indirect.gather @!p2 [hbm4b:s3+s26], $0x40, s22, s26, $0xb8;
	[tilespmem:$0x16400] =	vst v63  }
0xa1: {  	_ =	swait.ge [sflag:s18], $0x2000  }
0xa2: {  	[sflag:s18] =	ssyncset.done $0x0  }
0xa3: {  	[sflag:s18] =	ssyncadd.s32 $0xFFFFE000  }
0xa4: {  	_ =	swait.ge [sflag:s18], $0x2000  }
0xa5: {  	[sflag:s18] =	ssyncset.done $0x0  }
0xa6: {  	[sflag:s18] =	ssyncadd.s32 $0xFFFFE000  }
0xa7: {  	_ =	swait.ge [sflag:s18], $0x2000  }
0xa8: {  	[sflag:s18] =	ssyncset.done $0x0  }
0xa9: {  	[sflag:s18] =	ssyncadd.s32 $0xFFFFE000  }
0xaa: {  	s24 =	smov.u32 s23;
	_ =	swait.ge [sflag:s18], $0x2000  }
0xab: {  	s23 =	sadd.s32 $0x2000, s23;
	s29 =	rddreg [dreg:$0x4];
	[sflag:s18] =	ssyncset.done $0x0  }
0xac: {  	p1 =	sne.s32 s23, $0x32000;
	[sflag:s18] =	ssyncadd.s32 $0xFFFFE000;
	s25 =	sadd.s32 s21, s29  }
0xad: {  	[hbm4b:s25+s2] =	stream.linear.scatter [tilespmem:s14], [sflag:$0x2], $0x2000, $0x38;
	[tilespmem:$0x16400] =	vst v63  }
.Ltmp0:
0xae: {  	_ = 	snop;
	(pc) =	sbr.rel @p1 .LBB2_2-.Ltmp0, $4  }
0xaf: {  	s22 =	sadd.s32 $0x400, s22;
	s30 =	sadd.s32 $0x400, s25  }
0xb0: {  	[hbm4b:s30+s2] =	stream.linear.scatter [tilespmem:s15], [sflag:$0x2], $0x2000, $0x38;
	[tilespmem:$0x16400] =	vst v63  }
0xb1: {  	s21 =	smov.u32 s24;
	s31 =	sadd.s32 $0x800, s25;
	s25 =	sadd.s32 $0xC00, s25  }
0xb2: {  	[hbm4b:s31+s2] =	stream.linear.scatter [tilespmem:s16], [sflag:$0x2], $0x2000, $0x38;
	[tilespmem:$0x16400] =	vst v63  }
0xb3: {  	s23 =	simm.s32 @!p0 $0x2  }
0xb4: {  	[hbm4b:s25+s2] =	stream.linear.scatter [tilespmem:s17], [sflag:$0x2], $0x2000, $0x38;
	[tilespmem:$0x16400] =	vst v63  }
0xb5: {  	_ =	swait.ge @!p0 [sflag:s23], $0x2000  }
0xb6: {  	[sflag:s23] =	ssyncset.done @!p0 $0x0  }
0xb7: {  	[sflag:s23] =	ssyncadd.s32 @!p0 $0xFFFFE000  }
0xb8: {  	_ =	swait.ge @!p0 [sflag:s23], $0x2000  }
0xb9: {  	[sflag:s23] =	ssyncset.done @!p0 $0x0  }
0xba: {  	[sflag:s23] =	ssyncadd.s32 @!p0 $0xFFFFE000  }
0xbb: {  	_ =	swait.ge @!p0 [sflag:s23], $0x2000  }
0xbc: {  	[sflag:s23] =	ssyncset.done @!p0 $0x0  }
0xbd: {  	[sflag:s23] =	ssyncadd.s32 @!p0 $0xFFFFE000  }
0xbe: {  	_ =	swait.ge @!p0 [sflag:s23], $0x2000  }
0xbf: {  	[sflag:s23] =	ssyncset.done @!p0 $0x0  }
0xc0: {  	s30 =	sadd.s32 $0xFFFFFC80, s22;
	[sflag:s23] =	ssyncadd.s32 @!p0 $0xFFFFE000  }
0xc1: {  	[tilespmem:s14], [sflag:$0x1] =	stream.indirect.gather [hbm4b:s3+s7], $0x40, s30, s7, $0xb8;
	[tilespmem:$0x16400] =	vst v63  }
0xc2: {  	s31 =	sadd.s32 $0xFFFFFD00, s22  }
0xc3: {  	[tilespmem:s15], [sflag:$0x1] =	stream.indirect.gather [hbm4b:s3+s7], $0x40, s31, s7, $0xb8;
	[tilespmem:$0x16400] =	vst v63  }
0xc4: {  	s24 =	sadd.s32 $0xFFFFFD80, s22  }
0xc5: {  	[tilespmem:s16], [sflag:$0x1] =	stream.indirect.gather [hbm4b:s3+s7], $0x40, s24, s7, $0xb8;
	[tilespmem:$0x16400] =	vst v63  }
0xc6: {  	s25 =	sadd.s32 $0xFFFFFE00, s22  }
0xc7: {  	[tilespmem:s17], [sflag:$0x1] =	stream.indirect.gather [hbm4b:s3+s7], $0x40, s25, s7, $0xb8;
	[tilespmem:$0x16400] =	vst v63  }
0xc8: {  	_ =	swait.ge [sflag:s18], $0x2000  }
0xc9: {  	[sflag:s18] =	ssyncset.done $0x0  }
0xca: {  	[sflag:s18] =	ssyncadd.s32 $0xFFFFE000  }
0xcb: {  	_ =	swait.ge [sflag:s18], $0x2000  }
0xcc: {  	[sflag:s18] =	ssyncset.done $0x0  }
0xcd: {  	[sflag:s18] =	ssyncadd.s32 $0xFFFFE000  }
0xce: {  	_ =	swait.ge [sflag:s18], $0x2000  }
0xcf: {  	[sflag:s18] =	ssyncset.done $0x0  }
0xd0: {  	[sflag:s18] =	ssyncadd.s32 $0xFFFFE000  }
0xd1: {  	_ =	swait.ge [sflag:s18], $0x2000  }
0xd2: {  	s26 =	rddreg [dreg:$0x3];
	[sflag:s18] =	ssyncset.done $0x0  }
0xd3: {  	[sflag:s18] =	ssyncadd.s32 $0xFFFFE000;
	s23 =	sadd.s32 s21, s26  }
0xd4: {  	[hbm4b:s23+s2] =	stream.linear.scatter [tilespmem:s8], [sflag:$0x2], $0x2000, $0x38;
	[tilespmem:$0x16400] =	vst v63  }
0xd5: {  	s24 =	sadd.s32 $0x400, s23  }
0xd6: {  	[hbm4b:s24+s2] =	stream.linear.scatter [tilespmem:s9], [sflag:$0x2], $0x2000, $0x38;
	[tilespmem:$0x16400] =	vst v63  }
0xd7: {  	s28 =	sadd.s32 $0x800, s23  }
0xd8: {  	[hbm4b:s28+s2] =	stream.linear.scatter [tilespmem:s11], [sflag:$0x2], $0x2000, $0x38;
	[tilespmem:$0x16400] =	vst v63  }
0xd9: {  	s23 =	sadd.s32 $0xC00, s23  }
0xda: {  	[hbm4b:s23+s2] =	stream.linear.scatter [tilespmem:s13], [sflag:$0x2], $0x2000, $0x38;
	[tilespmem:$0x16400] =	vst v63  }
0xdb: {  	_ =	swait.ge [sflag:s19], $0x2000  }
0xdc: {  	[sflag:s19] =	ssyncset.done $0x0  }
0xdd: {  	[sflag:s19] =	ssyncadd.s32 $0xFFFFE000  }
0xde: {  	_ =	swait.ge [sflag:s19], $0x2000  }
0xdf: {  	[sflag:s19] =	ssyncset.done $0x0  }
0xe0: {  	[sflag:s19] =	ssyncadd.s32 $0xFFFFE000  }
0xe1: {  	_ =	swait.ge [sflag:s19], $0x2000  }
0xe2: {  	[sflag:s19] =	ssyncset.done $0x0  }
0xe3: {  	[sflag:s19] =	ssyncadd.s32 $0xFFFFE000  }
0xe4: {  	p0 =	seq.s32 s21, $0x30000;
	_ =	swait.ge [sflag:s19], $0x2000  }
0xe5: {  	s25 =	simm.s32 @!p0 $0x6400;
	[sflag:s19] =	ssyncset.done $0x0  }
0xe6: {  	s24 =	simm.s32 @!p0 $0x80;
	s23 =	sadd.s32 @!p0 $0xFFFFFE80, s22;
	[sflag:s19] =	ssyncadd.s32 $0xFFFFE000  }
0xe7: {  	[tilespmem:s25], [sflag:$0x1] =	stream.indirect.gather @!p0 [hbm4b:s3+s24], $0x40, s23, s24, $0xb8;
	[tilespmem:$0x16400] =	vst v63  }
0xe8: {  	s23 =	sadd.s32 @!p0 $0xFFFFFF00, s22;
	s25 =	simm.s32 @!p0 $0x8400  }
0xe9: {  	[tilespmem:s25], [sflag:$0x1] =	stream.indirect.gather @!p0 [hbm4b:s3+s24], $0x40, s23, s24, $0xb8;
	[tilespmem:$0x16400] =	vst v63  }
0xea: {  	s23 =	sadd.s32 @!p0 $0xFFFFFF80, s22;
	s25 =	simm.s32 @!p0 $0xA400  }
0xeb: {  	[tilespmem:s25], [sflag:$0x1] =	stream.indirect.gather @!p0 [hbm4b:s3+s24], $0x40, s23, s24, $0xb8;
	[tilespmem:$0x16400] =	vst v63  }
0xec: {  	s23 =	simm.s32 @!p0 $0xC400  }
0xed: {  	[tilespmem:s23], [sflag:$0x1] =	stream.indirect.gather @!p0 [hbm4b:s3+s24], $0x40, s22, s24, $0xb8;
	[tilespmem:$0x16400] =	vst v63  }
0xee: {  	_ =	swait.ge [sflag:s18], $0x2000  }
0xef: {  	[sflag:s18] =	ssyncset.done $0x0  }
0xf0: {  	[sflag:s18] =	ssyncadd.s32 $0xFFFFE000  }
0xf1: {  	_ =	swait.ge [sflag:s18], $0x2000  }
0xf2: {  	[sflag:s18] =	ssyncset.done $0x0  }
0xf3: {  	[sflag:s18] =	ssyncadd.s32 $0xFFFFE000  }
0xf4: {  	_ =	swait.ge [sflag:s18], $0x2000  }
0xf5: {  	[sflag:s18] =	ssyncset.done $0x0  }
0xf6: {  	[sflag:s18] =	ssyncadd.s32 $0xFFFFE000  }
0xf7: {  	_ =	swait.ge [sflag:s18], $0x2000  }
0xf8: {  	s29 =	rddreg [dreg:$0x4];
	[sflag:s18] =	ssyncset.done $0x0  }
0xf9: {  	[sflag:s18] =	ssyncadd.s32 $0xFFFFE000;
	s30 =	sadd.s32 s21, s29  }
0xfa: {  	[hbm4b:s30+s2] =	stream.linear.scatter [tilespmem:s14], [sflag:$0x2], $0x2000, $0x38;
	[tilespmem:$0x16400] =	vst v63  }
0xfb: {  	s22 =	sadd.s32 $0x400, s30  }
0xfc: {  	[hbm4b:s22+s2] =	stream.linear.scatter [tilespmem:s15], [sflag:$0x2], $0x2000, $0x38;
	[tilespmem:$0x16400] =	vst v63  }
0xfd: {  	s31 =	sadd.s32 $0x800, s30  }
0xfe: {  	[hbm4b:s31+s2] =	stream.linear.scatter [tilespmem:s16], [sflag:$0x2], $0x2000, $0x38;
	[tilespmem:$0x16400] =	vst v63  }
0xff: {  	s21 =	sadd.s32 $0xC00, s30  }
0x100: {  	[hbm4b:s21+s2] =	stream.linear.scatter [tilespmem:s17], [sflag:$0x2], $0x2000, $0x38;
	[tilespmem:$0x16400] =	vst v63  }
0x101: {  	_ =	swait.ge [sflag:s19], $0x2000  }
0x102: {  	[sflag:s19] =	ssyncset.done $0x0  }
0x103: {  	[sflag:s19] =	ssyncadd.s32 $0xFFFFE000  }
0x104: {  	_ =	swait.ge [sflag:s19], $0x2000  }
0x105: {  	[sflag:s19] =	ssyncset.done $0x0  }
0x106: {  	s20 =	sadd.s32 $0x1, s20;
	[sflag:s19] =	ssyncadd.s32 $0xFFFFE000  }
0x107: {  	p0 =	sne.s32 s20, s5;
	_ =	swait.ge [sflag:s19], $0x2000  }
.Ltmp1:
0x108: {  	[sflag:s19] =	ssyncset.done $0x0;
	(pc) =	sbr.rel @p0 .LBB2_1-.Ltmp1, $4  }
0x109: {  	[sflag:s19] =	ssyncadd.s32 $0xFFFFE000  }
0x10a: {  	_ =	swait.ge [sflag:s19], $0x2000  }
0x10b: {  	[sflag:s19] =	ssyncset.done $0x0  }
0x10c: {  	[sflag:s19] =	ssyncadd.s32 $0xFFFFE000  }
0x10d: {  	_ =	sfence.sel $0x180000  }
0x10e: {  	[bflag:$0x0] =	sbarrier.arrive $0xFFFF  }
0x10f: {  	p0 =	sne.s32 s0, $0x0;
	_ =	strace $0x90000047  }
0x110: {  	s0 =	sadd.s32 @!p0 $0x100000, s1;
	[bflag:$0x2] =	sbarrier.arrive $0xFFFF  }
0x111: {  	[sflag:s0] =	ssyncadd.tile.s32 @!p0 $0x1;
	_ =	shalt  }
.Lfunc_end2:
_tile_overlayer_lowered:
.L_overlay_start_2:
0x112: {  	(tag) =	ssettag $0x2  }
0x113: {  	s0 =	rddreg [dreg:$0x0];
	s2 =	stileid.u32  }
0x114: {  	s1 =	rddreg [dreg:$0x1];
	p0 =	sne.s32 s2, $0x0  }
0x115: {  	s3 =	rddreg [dreg:$0x2];
	[bflag:$0x3] =	sbarrier.arrive $0xFFFF;
	s2 =	simm.s32 @!p0 $0x1C03  }
0x116: {  	[timem:s3], [sflag:s2] =	dma.local @!p0 [hbm:s0], s1  }
0x117: {  	s0 =	simm.s32 @!p0 $0x3  }
0x118: {  	_ =	swait.ge @!p0 [sflag:s0], s1  }
0x119: {  	s1 =	ssub.s32 @!p0 $0x0, s1;
	[sflag:s0] =	ssyncset.done @!p0 $0x0  }
0x11a: {  	[sflag:s0] =	ssyncadd.s32 @!p0 s1  }
0x11b: {  	[bflag:$0x3] =	sbarrier.arrive $0xFFFF  }
0x11c: {  	_ =	shalt  }

// kernel: sparse-core-data-format-call.cloned.1.call-start
scs
called_computation_lowered:
.L_overlay_start_0:
0x0: {  	s2 =	sld [smem:$0x3FD9]  }
0x1: {  	s3 =	sld [smem:$0x3FFE];
	_ =	sdelay $0x1  }
0x2: {  	s1 =	srdreg.scid  }
0x3: {  	s0 =	sand.u32 $0x1, s1  }
0x4: {  	s18 =	sshll.u32 s0, $0xA;
	s2 =	sadd.s32 s3, s2  }
0x5: {  	s2 =	sadd.s32 s2, s18  }
0x6: {  	[smem:$0x3FC6] =	sst s2  }
0x7: {  	_ = 	snop  }
0x8: {  	s2 =	sld [smem:$0x3FD0];
	(tm) =	ssettm $0x1  }
0x9: {  	s19 =	sld [smem:$0x3FFB];
	_ =	sdelay $0x3  }
0xa: {  	_ =	strace s19  }
0xb: {  	s3 =	sld [smem:$0x3FFC];
	_ =	sdelay $0x3  }
0xc: {  	_ =	strace s3  }
0xd: {  	s3 =	sld [smem:$0x3FFD];
	_ =	sdelay $0x3  }
0xe: {  	_ =	strace s3  }
0xf: {  	_ =	strace $0x8FFFFFFF  }
0x10: {  	s20 =	sld [smem:$0x3FDB];
	_ =	sdelay $0x1  }
0x11: {  	s4 =	simm.s32 $_scs_section_size  }
0x12: {  	s5 =	simm.s32 $_size__tile_overlayer_lowered;
	s6 =	simm.s32 $_tile_overlayer_lowered  }
0x13: {  	s23 =	simm.s32 $0x1BFF;
	s22 =	sshll.u32 s6, $0x1;
	s3 =	sadd.s32 s4, s20  }
0x14: {  	s7 =	simm.s32 $0x0;
	s21 =	sshll.u32 s5, $0x1;
	s5 =	sadd.s32 s22, s3  }
0x15: {  	[timem:s7], [sflag:s23] =	dma.local [hbm:s5], s21  }
0x16: {  	_ =	swait.ge [sflag:s23], s21  }
0x17: {  	s4 =	ssub.s32 $0x0, s21;
	[sflag:s23] =	ssyncset.done $0x0  }
0x18: {  	[sflag:s23] =	ssyncadd.s32 s4;
	_ =	sdelay $0x1  }
0x19: {  	s24 =	simm.s32 $0x1B8B  }
0x1a: {  	_ =	swait.ge [sflag:s24], $0x1  }
0x1b: {  	[sflag:s24] =	ssyncset.done $0x0  }
0x1c: {  	s26 =	simm.s32 $0x1B8E;
	s25 =	sld [smem:$0x3FFE];
	[sflag:s24] =	ssyncadd.s32 $0xFFFFFFFF  }
0x1d: {  	s27 =	simm.s32 $execute0_lowered;
	[smem:$0x3FD2] =	sst s26  }
0x1e: {  	s5 =	sshll.u32 s27, $0x1;
	_ =	strace $0x80000049;
	[dreg:$0x1] =	wrdreg $0xFFFFFFFF  }
0x1f: {  	s28 =	simm.s32 $_size_execute0_lowered;
	s3 =	sadd.s32 s3, s5;
	[dreg:$0x0] =	wrdreg $0x0  }
0x20: {  	s5 =	sshll.u32 s28, $0x1;
	[dreg:$0x2] =	wrdreg s3  }
0x21: {  	[dreg:$0x3] =	wrdreg s5  }
0x22: {  	[dreg:$0x4] =	wrdreg $0xC0  }
0x23: {  	_ =	task [dreg:s7], $0x5FFFF  }
0x24: {  	[dreg:$0x1] =	wrdreg $0xFFFFFFFF  }
0x25: {  	[dreg:$0x0] =	wrdreg $0x60  }
0x26: {  	[dreg:$0x2] =	wrdreg s25  }
0x27: {  	[dreg:$0x3] =	wrdreg s2  }
0x28: {  	[dreg:$0x4] =	wrdreg $0x9  }
0x29: {  	_ =	task.clear_ibuf [dreg:s7], $0x5FFFF;
	_ =	strace $0x90000049  }
0x2a: {  	s29 =	simm.s32 $0x9;
	_ =	strace $0x8000004B  }
0x2b: {  	_ =	swait.ge [sflag:s29], $0x1  }
0x2c: {  	[sflag:s29] =	ssyncadd.s32 $0xFFFFFFFF  }
0x2d: {  	_ =	strace $0x9000004B  }
0x2e: {  	_ =	sfence  }
0x2f: {  	s30 =	sld [smem:$0x0];
	_ =	sdelay $0x2  }
0x30: {  	s31 =	sshll.u32 s1, $0xD;
	s1 =	sshrl.u32 s1, $0x2  }
0x31: {  	s3 =	sand.u32 $0x4000, s31;
	s1 =	sadd.s32 s1, s30  }
0x32: {  	s0 =	sor.u32 s3, s0;
	s1 =	sshll.u32 s1, $0x11  }
0x33: {  	s0 =	sor.u32 s1, s0  }
0x34: {  	s0 =	sadd.s32 $0x8F2B, s0  }
0x35: {  	[sflag:s0] =	ssyncadd.remote.s32 $0x1  }
0x36: {  	_ =	sfence.sel $0xFFFF  }
0x37: {  	[dreg:$0x0] =	wrdreg $0xFFFFFFFF;
	(pc) =	sbr.abs _section_cstart, $3  }
0x38: {  	[dreg:$0x1] =	wrdreg $0xFFFFFFFF  }
0x39: {  	_ =	task.clear_ibuf [dreg:s7], $0x2FFFF;
	_ =	strace $0x9FFFFFFF  }
0x3a: {  	(tm) =	ssettm $0x7FFFFFFF  }
0x3b: {  	_ =	shalt  }
tec
execute0_lowered:
.L_overlay_start_1:
0x0: {  	(tag) =	ssettag $0x1  }
0x1: {  	s0 =	srdreg.scid  }
0x2: {  	s1 =	sshll.u32 s0, $0x4  }
0x3: {  	s0 =	stileid.u32;
	s1 =	sand.u32 $0x10, s1  }
0x4: {  	s1 =	sor.u32 s0, s1  }
0x5: {  	s6 =	rddreg [dreg:$0x0];
	s4 =	simm.s32 $0x1;
	s2 =	sshll.u32 s1, $0x7  }
0x6: {  	s7 =	simm.s32 $0x2;
	s12 =	simm.s32 $0x0;
	s1 =	ssub.s32 $0x1000, s2  }
0x7: {  	s8 =	simm.s32 $0x8000;
	s13 =	simm.s32 $0x0;
	s3 =	sand.u32 $0xF80, s1  }
0x8: {  	s9 =	simm.s32 $0x0;
	s5 =	sshrl.u32 s1, $0xC;
	p0 =	sne.s32 s3, $0x0  }
.Ltmp0:
0x9: {  	s1 =	rddreg [dreg:$0x2];
	s4 =	simm.s32 @!p0 $0x0;
	(pc) =	sbr.rel .LBB1_1-.Ltmp0, $4  }
0xa: {  	s11 =	simm.s32 $0x0;
	s3 =	rddreg [dreg:$0x1];
	s5 =	sadd.s32 s4, s5  }
0xb: {  	_ =	strace $0x8000004A;
	s4 =	simm.s32 $0x1;
	s5 =	smul.u32 $0xC8, s5  }
0xc: {  	s6 =	sadd.s32 $0xA00, s6;
	s10 =	smov.u32 s2;
	[sflag:s4] =	ssyncpa.u1 $0x0  }
0xd: {  	p0 =	por $0x0, $0x0;
	[sflag:s7] =	ssyncpa.u1 $0x0;
	s7 =	sor.u32 $0x1, s5  }
.LBB1_4:
0xe: {  	s16 =	sshll.u32 s13, $0x3;
	s17 =	sand.u32 $0x78, s13  }
0xf: {  	s30 =	sand.u32 $0x7E00, s13;
	s12 =	sshll.u32 s12, $0xF;
	s16 =	sand.u32 $0xC00, s16  }
0x10: {  	[tilespmem:s15+$0x810 ss:$0x81] =	vst.msk $0xffff, v2;
	s31 =	sand.u32 $0x7, s13;
	s16 =	sor.u32 s17, s16;
	s17 =	sadd.s32 s3, s30  }
0x11: {  	[tilespmem:s15+$0x1020 ss:$0x81] =	vst.msk $0xffff, v0;
	s13 =	sshll.u32 s31, $0x12;
	s12 =	sadd.s32 s12, s17;
	s16 =	sshrl.u32 s16, $0x3  }
0x12: {  	[tilespmem:s15+$0x0 ss:$0x81] =	vst.msk $0xffff, v1;
	s13 =	sor.u32 $0x400, s13;
	s12 =	sadd.s32 s16, s12  }
0x13: {  	[hbm4b:s12+s13] =	stream.strided.scatter [tilespmem:s14], [sflag:$0x2], $0x2000, s8, s13, $0x20;
	[tilespmem:$0x8080] =	vst v63  }
.LBB1_5:
0x14: {  	s14 =	sadd.s32 $0x1, s9  }
0x15: {  	s12 =	sadd.s32 $0x1000, s10;
	s16 =	smov.u32 s10;
	p2 =	sgt.s32 s14, $0xC7  }
0x16: {  	s16 =	smov.u32 @p2 s12  }
0x17: {  	s14 =	simm.s32 @p2 $0x0;
	p2 =	sgt.s32 s16, $0xFFF  }
0x18: {  	s16 =	smov.u32 @p2 s2;
	p2 =	sne.s32 s11, s7  }
.Ltmp1:
0x19: {  	p1 =	slt.u32 s11, $0x2;
	(pc) =	sbr.rel @!p2 .LBB1_6-.Ltmp1, $4  }
0x1a: {  	s15 =	simm.s32 @!p1 $0x2  }
0x1b: {  	s13 =	smov.u32 s10;
	p0 =	por !p0, !p0;
	_ =	swait.ge @!p1 [sflag:s15], $0x2000  }
0x1c: {  	s12 =	smov.u32 s9;
	[sflag:s15] =	ssyncset.done @!p1 $0x0;
	s9 =	smov.u32 s14  }
0x1d: {  	s11 =	sadd.s32 $0x1, s11;
	[sflag:s15] =	ssyncadd.s32 @!p1 $0xFFFFE000;
	s10 =	smov.u32 s16  }
.LBB1_1:
0x1e: {  	p1 =	sge.u32 s11, s5  }
0x1f: {  	s14 =	sand.u32 @!p1 $0x1FFFFFF, s9  }
0x20: {  	s15 =	smulhi.u32 @!p1 $0x147AE15, s14;
	_ =	sdelay $0x1  }
0x21: {  	s15 =	smul.u32 @!p1 $0xC8, s15  }
0x22: {  	s16 =	sxor.u32 @!p1 $0xFFFFFFFF, s11;
	s17 =	smul.u32 @!p1 $0xC80, s10  }
0x23: {  	s31 =	sadd.s32 $0xFFFFFFFF, s11;
	s16 =	sshll.u32 @!p1 s16, $0xD;
	s14 =	ssub.s32 @!p1 s14, s15  }
0x24: {  	s15 =	sand.u32 @!p1 $0x2000, s16;
	s16 =	sadd.s32 @!p1 s6, s17;
	s14 =	sshll.u32 @!p1 s14, $0x4  }
0x25: {  	s17 =	simm.s32 @!p1 $0x6400;
	s14 =	sadd.s32 @!p1 s14, s16;
	s16 =	simm.s32 @!p1 $0x40  }
0x26: {  	[tilespmem:s15], [sflag:$0x1] =	stream.strided.gather @!p1 [hbm4b:s14+s16], $0x2000, s17, s16, $0x38;
	[tilespmem:$0x8080] =	vst v63  }
0x27: {  	p1 =	sge.u32 s31, s5  }
.Ltmp2:
0x28: {  	_ = 	snop;
	(pc) =	sbr.rel @p1 .LBB1_5-.Ltmp2, $1  }
0x29: {  	_ =	sdelay $0x3  }
0x2a: {  	s14 =	simm.s32 $0x1  }
0x2b: {  	_ =	swait.ge [sflag:s4], $0x2000;
	s14 =	simm.s32 @!p0 $0x0  }
0x2c: {  	[sflag:s4] =	ssyncset.done $0x0;
	s15 =	sshll.u32 s14, $0xD  }
0x2d: {  	[sflag:s4] =	ssyncadd.s32 $0xFFFFE000;
	s18 =	sor.u32 $0x20, s15  }
0x2e: {  	s14 =	smul.u32 $0x8100, s14;
	v3 =	vld [tilespmem:s18+$0x10]  }
0x2f: {  	s30 =	sand.u32 $0x1, s11;
	v2 =	vld [tilespmem:s18+$0xFFFFFFF0]  }
0x30: {  	s15 =	smul.u32 $0x8100, s30;
	s14 =	sshrl.u32 s14, $0x2;
	v0 =	vld [tilespmem:s18+$0x0]  }
0x31: {  	v1 =	vld [tilespmem:s18+$0xFFFFFFE0];
	s16 =	sor.u32 $0x4000, s14  }
0x32: {  	s31 =	sshrl.u32 s15, $0x2;
	s15 =	sadd.s32 $0x0, s16  }
0x33: {  	s17 =	simm.s32 $0x4;
	s18 =	sadd.s32 $0x40, s18;
	s14 =	sor.u32 $0x4000, s31;
	[tilespmem:s15+$0x1830 ss:$0x81] =	vst.msk $0xffff, v3  }
.LBB1_3:
0x34: {  	v3 =	vld [tilespmem:s18+$0x10];
	p1 =	sne.s32 s17, $0x1FC;
	[tilespmem:s15+$0x810 ss:$0x81] =	vst.msk $0xffff, v2;
	s19 =	smov.u32 s17;
	s17 =	sadd.s32 $0x4, s17  }
.Ltmp3:
0x35: {  	v2 =	vld [tilespmem:s18+$0xFFFFFFF0];
	[tilespmem:s15+$0x1020 ss:$0x81] =	vst.msk $0xffff, v0;
	(pc) =	sbr.rel @p1 .LBB1_3-.Ltmp3, $4  }
0x36: {  	v0 =	vld [tilespmem:s18+$0x0];
	[tilespmem:s15+$0x0 ss:$0x81] =	vst.msk $0xffff, v1  }
0x37: {  	s15 =	sshra.s32 s19, $0x2;
	v1 =	vld [tilespmem:s18+$0xFFFFFFE0]  }
0x38: {  	s15 =	sadd.s32 s15, s16  }
0x39: {  	s18 =	sadd.s32 $0x40, s18;
	[tilespmem:s15+$0x1830 ss:$0x81] =	vst.msk $0xffff, v3  }
.Ltmp4:
0x3a: {  	_ = 	snop;
	(pc) =	sbr.rel .LBB1_4-.Ltmp4, $1  }
0x3b: {  	_ =	sdelay $0x3  }
.LBB1_6:
0x3c: {  	_ =	sfence.sel $0x180000  }
0x3d: {  	s2 =	simm.s32 $0x1;
	[bflag:$0x0] =	sbarrier.arrive $0xFFFF  }
0x3e: {  	s31 =	simm.s32 $0x2;
	[sflag:s2] =	ssyncpa.u1 $0x1  }
0x3f: {  	[sflag:s31] =	ssyncpa.u1 $0x1  }
0x40: {  	p0 =	sne.s32 s0, $0x0;
	_ =	strace $0x9000004A  }
0x41: {  	s0 =	sadd.s32 @!p0 $0x100000, s1;
	[bflag:$0x2] =	sbarrier.arrive $0xFFFF  }
0x42: {  	[sflag:s0] =	ssyncadd.tile.s32 @!p0 $0x1;
	_ =	shalt  }
.Lfunc_end1:
_tile_overlayer_lowered:
.L_overlay_start_2:
0x43: {  	(tag) =	ssettag $0x2  }
0x44: {  	s0 =	rddreg [dreg:$0x0];
	s2 =	stileid.u32  }
0x45: {  	s1 =	rddreg [dreg:$0x1];
	p0 =	sne.s32 s2, $0x0  }
0x46: {  	s3 =	rddreg [dreg:$0x2];
	[bflag:$0x3] =	sbarrier.arrive $0xFFFF;
	s2 =	simm.s32 @!p0 $0x1C01  }
0x47: {  	[timem:s3], [sflag:s2] =	dma.local @!p0 [hbm:s0], s1  }
0x48: {  	s0 =	simm.s32 @!p0 $0x1  }
0x49: {  	_ =	swait.ge @!p0 [sflag:s0], s1  }
0x4a: {  	s1 =	ssub.s32 @!p0 $0x0, s1;
	[sflag:s0] =	ssyncset.done @!p0 $0x0  }
0x4b: {  	[sflag:s0] =	ssyncadd.s32 @!p0 s1  }
0x4c: {  	[bflag:$0x3] =	sbarrier.arrive $0xFFFF  }
0x4d: {  	_ =	shalt  }

</sc_bundles>
